<compile_context>
chip_gen: v7x
topology: tpu7x:2x2x1
jax: 0.10.2.dev20260603
libtpu: 0.0.44.dev20260713+nightly
codegen_flags: <defaults>
</compile_context>

<pallas_src>
import functools

import jax
import jax.numpy as jnp
from jax import lax
from jax.experimental import pallas as pl
from jax.experimental.pallas import tpu as pltpu
from jax.experimental.pallas import tpu_sc as plsc

_L = 16
_T = 2 ** 19
_F = 2
_N_MIN = 16
_N_MAX = 4096
_MASK = _T - 1
_PI1 = -1640531535
_PI2 = 805459861

_LANES = 16
_NC = 2
_NS = 16
_NW = _NC * _NS


def _build(N):
    P = N // _NW
    SB = 2
    Q = P // SB
    GQ = Q // _LANES
    NIQ = 8 * Q

    mesh = plsc.VectorSubcoreMesh(core_axis_name="c", subcore_axis_name="s")

    @functools.partial(
        pl.kernel,
        out_type=jax.ShapeDtypeStruct((N, 2 * _L), jnp.float32),
        mesh=mesh,
        compiler_params=pltpu.CompilerParams(needs_layout_passes=False,
                                             use_tc_tiling_on_sc=False),
        scratch_types=[
            pltpu.VMEM((3 * P,), jnp.float32),
            pltpu.VMEM((2 * 3 * Q,), jnp.float32),
            pltpu.VMEM((_L * _LANES,), jnp.float32),
            pltpu.VMEM((2 * 2 * NIQ,), jnp.int32),
            pltpu.VMEM((2 * 2 * NIQ,), jnp.float32),
            pltpu.VMEM((Q, 2 * _L), jnp.float32),
            pltpu.SemaphoreType.DMA,
        ],
    )
    def enc(x_hbm, nl_hbm, table_hbm, out_hbm,
            xs_v, fr_v, nl_v, idx_v, e_v, o_v, sem):
        wid = lax.axis_index("s") * _NC + lax.axis_index("c")
        base = wid * P
        pltpu.sync_copy(x_hbm.at[pl.ds(3 * base, 3 * P)], xs_v)
        pltpu.sync_copy(nl_hbm, nl_v)

        iota = lax.iota(jnp.int32, _LANES)

        def sb_body(qb, _):
            qo = qb * Q

            def idx_group(g, nl, lM, ib, fb):
                o = g * _LANES
                pid = (qo + o + iota) * 3
                xn0 = plsc.load_gather(xs_v, [pid]) * nl
                xn1 = plsc.load_gather(xs_v, [pid + 1]) * nl
                xn2 = plsc.load_gather(xs_v, [pid + 2]) * nl
                lb0 = xn0.astype(jnp.int32)
                lb1 = xn1.astype(jnp.int32)
                lb2 = xn2.astype(jnp.int32)
                fr_v[pl.ds(fb + o, _LANES)] = xn0 - lb0.astype(jnp.float32)
                fr_v[pl.ds(fb + Q + o, _LANES)] = xn1 - lb1.astype(jnp.float32)
                fr_v[pl.ds(fb + 2 * Q + o, _LANES)] = xn2 - lb2.astype(jnp.float32)
                a1 = lb1 * _PI1
                a2 = lb2 * _PI2
                b0 = lb0 + 1
                b1 = a1 + _PI1
                b2 = a2 + _PI2
                for c in range(8):
                    h0 = b0 if (c >> 2) & 1 else lb0
                    h1 = b1 if (c >> 1) & 1 else a1
                    h2 = b2 if c & 1 else a2
                    h = (h0 ^ h1 ^ h2) & _MASK
                    p0 = lM + ((h >> 7) << 8) + (h & 127)
                    co = c * Q + o
                    idx_v[pl.ds(ib + co, _LANES)] = p0
                    idx_v[pl.ds(ib + NIQ + co, _LANES)] = p0 + 128

            def interp_group(g, lvl2, ib, fb):
                o = g * _LANES
                f0 = fr_v[pl.ds(fb + o, _LANES)]
                f1 = fr_v[pl.ds(fb + Q + o, _LANES)]
                f2 = fr_v[pl.ds(fb + 2 * Q + o, _LANES)]
                g0 = 1.0 - f0
                g1 = 1.0 - f1
                g2 = 1.0 - f2
                pair = (g0 * g1, g0 * f1, f0 * g1, f0 * f1)
                acc0 = jnp.zeros((_LANES,), jnp.float32)
                acc1 = jnp.zeros((_LANES,), jnp.float32)
                for c in range(8):
                    w = pair[c >> 1] * (f2 if c & 1 else g2)
                    co = c * Q + o
                    acc0 = acc0 + w * e_v[pl.ds(ib + co, _LANES)]
                    acc1 = acc1 + w * e_v[pl.ds(ib + NIQ + co, _LANES)]
                rid0 = o + iota
                plsc.store_scatter(o_v, [rid0, lvl2], acc0)
                plsc.store_scatter(o_v, [rid0, lvl2 + 1], acc1)

            def compute_idx(l, ib, fb):
                nl = nl_v[pl.ds(l * _LANES, _LANES)]
                lM = l * (_T * _F)
                lax.fori_loop(
                    0, GQ, lambda g, _: idx_group(g, nl, lM, ib, fb), None)

            def interp(l, ib, fb):
                lvl2 = jnp.full((_LANES,), 2 * l, jnp.int32)
                lax.fori_loop(
                    0, GQ, lambda g, _: interp_group(g, lvl2, ib, fb), None)

            def fire(ib):
                return pltpu.async_copy(
                    table_hbm.at[idx_v.at[pl.ds(ib, 2 * NIQ)]],
                    e_v.at[pl.ds(ib, 2 * NIQ)], sem)

            compute_idx(0, 0, 0)

            def pl_body(l, _):
                buf = l & 1
                ib = buf * 2 * NIQ
                fb = buf * 3 * Q
                ibn = (1 - buf) * 2 * NIQ
                fbn = (1 - buf) * 3 * Q
                h = fire(ib)

                @pl.when(l == 0)
                def _():
                    compute_idx(1, ibn, fbn)

                @pl.when(jnp.logical_and(l > 0, l < _L - 1))
                def _():
                    nl = nl_v[pl.ds((l + 1) * _LANES, _LANES)]
                    lM = (l + 1) * (_T * _F)
                    lvl2 = jnp.full((_LANES,), 2 * (l - 1), jnp.int32)

                    def fused(g, _):
                        interp_group(g, lvl2, ibn, fbn)
                        idx_group(g, nl, lM, ibn, fbn)

                    lax.fori_loop(0, GQ, fused, None)

                @pl.when(l == _L - 1)
                def _():
                    interp(l - 1, ibn, fbn)

                h.wait()

            lax.fori_loop(0, _L, pl_body, None)
            interp(_L - 1, 2 * NIQ, 3 * Q)
            pltpu.sync_copy(o_v, out_hbm.at[pl.ds(base + qo, Q), :])

        lax.fori_loop(0, SB, sb_body, None)

    return enc


def kernel(x, hashtable):
    N = x.shape[0]
    b = jnp.exp(jnp.log(_N_MAX / _N_MIN) / (_L - 1))
    n_levels = jnp.floor(_N_MIN * b ** jnp.arange(_L))
    nl_b = jnp.broadcast_to(n_levels[:, None].astype(jnp.float32),
                            (_L, _LANES)).reshape(-1)
    xf = x.reshape(-1)
    traw = hashtable.reshape(_L, _T // 128, 128, _F)
    traw = traw.transpose(0, 1, 3, 2).reshape(-1)
    return _build(N)(xf, nl_b, traw)

# --- scband reference (transcript-rebuilt; emitter-appended) ---
"""Pipeline reference for scband-hash-encoder-15401752723989 (READ-ONLY COPY).

The authoritative reference and input builder live on the scoring server;
editing this copy changes nothing except your own understanding.
"""

import jax, jax.numpy as jnp
import numpy as np

L = 16
T = 2 ** 19
F = 2
N_MIN = 16
N_MAX = 4096
D = 3
PIS = jnp.array([1, 2654435761, 805459861], dtype=jnp.uint32)


def _encode_point(x, hashtable):
    # x: (3,) float32, hashtable: (L, T, F) float32
    b = jnp.exp(jnp.log(N_MAX / N_MIN) / (L - 1))
    n_levels = jnp.floor(N_MIN * b ** jnp.arange(L))

    def hash_level(x, n_l, table):
        lb = jnp.floor(x * n_l).astype(jnp.int32)
        voxel_indices = jnp.moveaxis(jnp.indices((2,) * D), 0, -1)
        voxel_corners = (lb + voxel_indices).reshape(-1, D)

        def get_feature_from_coords(coords):
            cu = coords.astype(jnp.uint32)
            prods = PIS[:D] * cu
            h = jax.lax.reduce(prods, np.uint32(0), jax.lax.bitwise_xor, (0,)) % np.uint32(T)
            return table[h]

        features = jax.vmap(get_feature_from_coords)(voxel_corners)
        features = features.reshape((2,) * D + (F,))
        features = jnp.moveaxis(features, -1, 0)
        frac = x * n_l - lb
        interpolated = jax.vmap(lambda f: jax.scipy.ndimage.map_coordinates(f, list(frac), 1))(features)
        return interpolated

    return jax.vmap(hash_level, in_axes=(None, 0, 0))(x, n_levels, hashtable).reshape(-1)


def setup_inputs(seed: int = 0):
    key = jax.random.key(seed)
    k1, k2 = jax.random.split(key)
    x = jax.random.uniform(k1, (65536, 3), dtype=jnp.float32)
    # learned param: hashtable, init uniform(scale=1e-4) per flax nn.initializers.uniform
    hashtable = jax.random.uniform(k2, (L, T, F), dtype=jnp.float32, minval=0.0, maxval=1e-4)
    return {"x": x, "hashtable": hashtable}


def reference(x, hashtable):
    # original flax module encodes a single point; batch via outer vmap (standard usage)
    return jax.vmap(_encode_point, in_axes=(0, None))(x, hashtable)

if __name__ == "__main__":
    import jax
    _d = setup_inputs()
    print(jax.jit(kernel)(*tuple(_d.values())))

</pallas_src>

<mosaic_0001>
#map = affine_map<(d0, d1) -> (0)>
#map1 = affine_map<(d0, d1) -> (0, 0)>
module attributes {stable_mosaic.version = 14 : i64} {
  func.func @enc(%arg0: i32, %arg1: i32, %arg2: memref<196608xf32, #tpu.memory_space<hbm>>, %arg3: memref<256xf32, #tpu.memory_space<hbm>>, %arg4: memref<16777216xf32, #tpu.memory_space<hbm>>, %arg5: memref<65536x32xf32, #tpu.memory_space<hbm>>, %arg6: memref<6144xf32, #tpu.memory_space<vmem>>, %arg7: memref<6144xf32, #tpu.memory_space<vmem>>, %arg8: memref<256xf32, #tpu.memory_space<vmem>>, %arg9: memref<32768xi32, #tpu.memory_space<vmem>>, %arg10: memref<32768xf32, #tpu.memory_space<vmem>>, %arg11: memref<1024x32xf32, #tpu.memory_space<vmem>>, %arg12: memref<!tpu.dma_semaphore, #tpu.memory_space<semaphore_mem>>) attributes {dimension_semantics = [#tpu.dimension_semantics<core_parallel>, #tpu.dimension_semantics<subcore_parallel>], iteration_bounds = array<i64: 2, 16>, scalar_prefetch = 0 : i64, scratch_operands = 7 : i64, tpu.core_type = #tpu.core_type<sc_vector_subcore>, window_params = [{transform_indices = #map}, {transform_indices = #map}, {transform_indices = #map}, {transform_indices = #map1}]} {
    %mul3A = arith.constant 2 : i32
    %mul3A_0 = arith.muli %arg1, %mul3A : i32
    %add3A = arith.addi %mul3A_0, %arg0 : i32
    %mul3A_1 = arith.constant 2048 : i32
    %mul3A_2 = arith.muli %add3A, %mul3A_1 : i32
    %mul3A_3 = arith.constant 3 : i32
    %mul3A_4 = arith.muli %mul3A_3, %mul3A_2 : i32
    "tpu.region"() ({
      %run_scoped3A = tpu.sem_alloc : memref<!tpu.dma_semaphore, #tpu.memory_space<semaphore_mem>>
      %dma_start3A = tpu.memref_slice %arg2[%mul3A_4] : memref<196608xf32, #tpu.memory_space<hbm>> -> memref<6144xf32, #tpu.memory_space<hbm>>
      %dma_start3A_9 = tpu.memref_slice %arg2[%mul3A_4] : memref<196608xf32, #tpu.memory_space<hbm>> -> memref<6144xf32, #tpu.memory_space<hbm>>
      tpu.enqueue_dma source(%dma_start3A_9 : memref<6144xf32, #tpu.memory_space<hbm>>) target(%arg6 : memref<6144xf32, #tpu.memory_space<vmem>>) target_semaphore(%run_scoped3A : memref<!tpu.dma_semaphore, #tpu.memory_space<semaphore_mem>>)
      %dma_wait3A = tpu.memref_slice %arg2[%mul3A_4] : memref<196608xf32, #tpu.memory_space<hbm>> -> memref<6144xf32, #tpu.memory_space<hbm>>
      %dma_wait3A_10 = tpu.memref_slice %arg2[%mul3A_4] : memref<196608xf32, #tpu.memory_space<hbm>> -> memref<6144xf32, #tpu.memory_space<hbm>>
      tpu.wait_dma2 semaphore(%run_scoped3A : memref<!tpu.dma_semaphore, #tpu.memory_space<semaphore_mem>>) src(%dma_wait3A_10 : memref<6144xf32, #tpu.memory_space<hbm>>) dst(%arg6 : memref<6144xf32, #tpu.memory_space<vmem>>)
      tpu.yield
    }) : () -> ()
    "tpu.region"() ({
      %run_scoped3A = tpu.sem_alloc : memref<!tpu.dma_semaphore, #tpu.memory_space<semaphore_mem>>
      tpu.enqueue_dma source(%arg3 : memref<256xf32, #tpu.memory_space<hbm>>) target(%arg8 : memref<256xf32, #tpu.memory_space<vmem>>) target_semaphore(%run_scoped3A : memref<!tpu.dma_semaphore, #tpu.memory_space<semaphore_mem>>)
      tpu.wait_dma2 semaphore(%run_scoped3A : memref<!tpu.dma_semaphore, #tpu.memory_space<semaphore_mem>>) src(%arg3 : memref<256xf32, #tpu.memory_space<hbm>>) dst(%arg8 : memref<256xf32, #tpu.memory_space<vmem>>)
      tpu.yield
    }) : () -> ()
    %iota3A = tpu.iota {dimensions = array<i32: 0>} : vector<16xi32>
    %scan3A = arith.constant 0 : i32
    %scan3A_5 = arith.constant 2 : i32
    %scan3A_6 = arith.addi %scan3A, %scan3A_5 : i32
    %scan3A_7 = arith.constant 1 : i32
    scf.for %scan3A_9 = %scan3A to %scan3A_6 step %scan3A_7  : i32 {
      %mul3A_10 = arith.constant 1024 : i32
      %mul3A_11 = arith.muli %scan3A_9, %mul3A_10 : i32
      %get3A = arith.constant 0 : index
      %get3A_12 = tpu.vector_load %arg8[%get3A] {strides = array<i32>} : memref<256xf32, #tpu.memory_space<vmem>>, vector<16xf32>,
      %scan3A_13 = arith.constant 0 : i32
      %scan3A_14 = arith.constant 64 : i32
      %scan3A_15 = arith.addi %scan3A_13, %scan3A_14 : i32
      %scan3A_16 = arith.constant 1 : i32
      scf.for %scan3A_30 = %scan3A_13 to %scan3A_15 step %scan3A_16  : i32 {
        %mul3A_31 = arith.constant 16 : i32
        %mul3A_32 = arith.muli %scan3A_30, %mul3A_31 : i32
        %add3A_33 = arith.addi %mul3A_11, %mul3A_32 : i32
        %add3A_34 = vector.broadcast %add3A_33 : i32 to vector<16xi32>
        %add3A_35 = arith.addi %add3A_34, %iota3A : vector<16xi32>
        %mul3A_36 = arith.constant 3 : i32
        %mul3A_37 = vector.broadcast %mul3A_36 : i32 to vector<16xi32>
        %mul3A_38 = arith.muli %add3A_35, %mul3A_37 : vector<16xi32>
        %gather3A = tpu.vector_load_idx %arg6[%mul3A_38] : memref<6144xf32, #tpu.memory_space<vmem>>[vector<16xi32>], vector<16xf32>,
        %mul3A_39 = arith.mulf %gather3A, %get3A_12 : vector<16xf32>
        %add3A_40 = arith.constant 1 : i32
        %add3A_41 = vector.broadcast %add3A_40 : i32 to vector<16xi32>
        %add3A_42 = arith.addi %mul3A_38, %add3A_41 : vector<16xi32>
        %gather3A_43 = tpu.vector_load_idx %arg6[%add3A_42] : memref<6144xf32, #tpu.memory_space<vmem>>[vector<16xi32>], vector<16xf32>,
        %mul3A_44 = arith.mulf %gather3A_43, %get3A_12 : vector<16xf32>
        %add3A_45 = arith.constant 2 : i32
        %add3A_46 = vector.broadcast %add3A_45 : i32 to vector<16xi32>
        %add3A_47 = arith.addi %mul3A_38, %add3A_46 : vector<16xi32>
        %gather3A_48 = tpu.vector_load_idx %arg6[%add3A_47] : memref<6144xf32, #tpu.memory_space<vmem>>[vector<16xi32>], vector<16xf32>,
        %mul3A_49 = arith.mulf %gather3A_48, %get3A_12 : vector<16xf32>
        %convert_element_type3A = arith.fptosi %mul3A_39 : vector<16xf32> to vector<16xi32>
        %convert_element_type3A_50 = arith.fptosi %mul3A_44 : vector<16xf32> to vector<16xi32>
        %convert_element_type3A_51 = arith.fptosi %mul3A_49 : vector<16xf32> to vector<16xi32>
        %convert_element_type3A_52 = arith.sitofp %convert_element_type3A : vector<16xi32> to vector<16xf32>
        %sub3A = arith.subf %mul3A_39, %convert_element_type3A_52 : vector<16xf32>
        %add3A_53 = arith.constant 0 : i32
        %add3A_54 = arith.addi %add3A_53, %mul3A_32 : i32
        %swap3A = arith.index_cast %add3A_54 : i32 to index
        %swap3A_55 = tpu.vector_load %arg7[%swap3A] {strides = array<i32>} : memref<6144xf32, #tpu.memory_space<vmem>>, vector<16xf32>,
        tpu.vector_store %arg7[%swap3A], %sub3A {strides = array<i32>} : memref<6144xf32, #tpu.memory_space<vmem>>, vector<16xf32>,
        %convert_element_type3A_56 = arith.sitofp %convert_element_type3A_50 : vector<16xi32> to vector<16xf32>
        %sub3A_57 = arith.subf %mul3A_44, %convert_element_type3A_56 : vector<16xf32>
        %add3A_58 = arith.constant 1024 : i32
        %add3A_59 = arith.addi %add3A_58, %mul3A_32 : i32
        %swap3A_60 = arith.index_cast %add3A_59 : i32 to index
        %swap3A_61 = tpu.vector_load %arg7[%swap3A_60] {strides = array<i32>} : memref<6144xf32, #tpu.memory_space<vmem>>, vector<16xf32>,
        tpu.vector_store %arg7[%swap3A_60], %sub3A_57 {strides = array<i32>} : memref<6144xf32, #tpu.memory_space<vmem>>, vector<16xf32>,
        %convert_element_type3A_62 = arith.sitofp %convert_element_type3A_51 : vector<16xi32> to vector<16xf32>
        %sub3A_63 = arith.subf %mul3A_49, %convert_element_type3A_62 : vector<16xf32>
        %add3A_64 = arith.constant 2048 : i32
        %add3A_65 = arith.addi %add3A_64, %mul3A_32 : i32
        %swap3A_66 = arith.index_cast %add3A_65 : i32 to index
        %swap3A_67 = tpu.vector_load %arg7[%swap3A_66] {strides = array<i32>} : memref<6144xf32, #tpu.memory_space<vmem>>, vector<16xf32>,
        tpu.vector_store %arg7[%swap3A_66], %sub3A_63 {strides = array<i32>} : memref<6144xf32, #tpu.memory_space<vmem>>, vector<16xf32>,
        %mul3A_68 = arith.constant -1640531535 : i32
        %mul3A_69 = vector.broadcast %mul3A_68 : i32 to vector<16xi32>
        %mul3A_70 = arith.muli %convert_element_type3A_50, %mul3A_69 : vector<16xi32>
        %mul3A_71 = arith.constant 805459861 : i32
        %mul3A_72 = vector.broadcast %mul3A_71 : i32 to vector<16xi32>
        %mul3A_73 = arith.muli %convert_element_type3A_51, %mul3A_72 : vector<16xi32>
        %add3A_74 = arith.constant 1 : i32
        %add3A_75 = vector.broadcast %add3A_74 : i32 to vector<16xi32>
        %add3A_76 = arith.addi %convert_element_type3A, %add3A_75 : vector<16xi32>
        %add3A_77 = arith.constant -1640531535 : i32
        %add3A_78 = vector.broadcast %add3A_77 : i32 to vector<16xi32>
        %add3A_79 = arith.addi %mul3A_70, %add3A_78 : vector<16xi32>
        %add3A_80 = arith.constant 805459861 : i32
        %add3A_81 = vector.broadcast %add3A_80 : i32 to vector<16xi32>
        %add3A_82 = arith.addi %mul3A_73, %add3A_81 : vector<16xi32>
        %xor3A = arith.xori %convert_element_type3A, %mul3A_70 : vector<16xi32>
        %xor3A_83 = arith.xori %xor3A, %mul3A_73 : vector<16xi32>
        %and3A = arith.constant 524287 : i32
        %and3A_84 = vector.broadcast %and3A : i32 to vector<16xi32>
        %and3A_85 = arith.andi %xor3A_83, %and3A_84 : vector<16xi32>
        %shift_right_arithmetic3A = arith.constant 7 : i32
        %shift_right_arithmetic3A_86 = vector.broadcast %shift_right_arithmetic3A : i32 to vector<16xi32>
        %shift_right_arithmetic3A_87 = arith.shrsi %and3A_85, %shift_right_arithmetic3A_86 : vector<16xi32>
        %shift_left3A = arith.constant 8 : i32
        %shift_left3A_88 = vector.broadcast %shift_left3A : i32 to vector<16xi32>
        %shift_left3A_89 = arith.shli %shift_right_arithmetic3A_87, %shift_left3A_88 : vector<16xi32>
        %add3A_90 = arith.constant 0 : i32
        %add3A_91 = vector.broadcast %add3A_90 : i32 to vector<16xi32>
        %add3A_92 = arith.addi %add3A_91, %shift_left3A_89 : vector<16xi32>
        %and3A_93 = arith.constant 127 : i32
        %and3A_94 = vector.broadcast %and3A_93 : i32 to vector<16xi32>
        %and3A_95 = arith.andi %and3A_85, %and3A_94 : vector<16xi32>
        %add3A_96 = arith.addi %add3A_92, %and3A_95 : vector<16xi32>
        %add3A_97 = arith.constant 0 : i32
        %add3A_98 = arith.addi %add3A_97, %mul3A_32 : i32
        %add3A_99 = arith.constant 0 : i32
        %add3A_100 = arith.addi %add3A_99, %add3A_98 : i32
        %swap3A_101 = arith.index_cast %add3A_100 : i32 to index
        %swap3A_102 = tpu.vector_load %arg9[%swap3A_101] {strides = array<i32>} : memref<32768xi32, #tpu.memory_space<vmem>>, vector<16xi32>,
        tpu.vector_store %arg9[%swap3A_101], %add3A_96 {strides = array<i32>} : memref<32768xi32, #tpu.memory_space<vmem>>, vector<16xi32>,
        %add3A_103 = arith.constant 128 : i32
        %add3A_104 = vector.broadcast %add3A_103 : i32 to vector<16xi32>
        %add3A_105 = arith.addi %add3A_96, %add3A_104 : vector<16xi32>
        %add3A_106 = arith.constant 8192 : i32
        %add3A_107 = arith.addi %add3A_106, %add3A_98 : i32
        %swap3A_108 = arith.index_cast %add3A_107 : i32 to index
        %swap3A_109 = tpu.vector_load %arg9[%swap3A_108] {strides = array<i32>} : memref<32768xi32, #tpu.memory_space<vmem>>, vector<16xi32>,
        tpu.vector_store %arg9[%swap3A_108], %add3A_105 {strides = array<i32>} : memref<32768xi32, #tpu.memory_space<vmem>>, vector<16xi32>,
        %xor3A_110 = arith.xori %convert_element_type3A, %mul3A_70 : vector<16xi32>
        %xor3A_111 = arith.xori %xor3A_110, %add3A_82 : vector<16xi32>
        %and3A_112 = arith.constant 524287 : i32
        %and3A_113 = vector.broadcast %and3A_112 : i32 to vector<16xi32>
        %and3A_114 = arith.andi %xor3A_111, %and3A_113 : vector<16xi32>
        %shift_right_arithmetic3A_115 = arith.constant 7 : i32
        %shift_right_arithmetic3A_116 = vector.broadcast %shift_right_arithmetic3A_115 : i32 to vector<16xi32>
        %shift_right_arithmetic3A_117 = arith.shrsi %and3A_114, %shift_right_arithmetic3A_116 : vector<16xi32>
        %shift_left3A_118 = arith.constant 8 : i32
        %shift_left3A_119 = vector.broadcast %shift_left3A_118 : i32 to vector<16xi32>
        %shift_left3A_120 = arith.shli %shift_right_arithmetic3A_117, %shift_left3A_119 : vector<16xi32>
        %add3A_121 = arith.constant 0 : i32
        %add3A_122 = vector.broadcast %add3A_121 : i32 to vector<16xi32>
        %add3A_123 = arith.addi %add3A_122, %shift_left3A_120 : vector<16xi32>
        %and3A_124 = arith.constant 127 : i32
        %and3A_125 = vector.broadcast %and3A_124 : i32 to vector<16xi32>
        %and3A_126 = arith.andi %and3A_114, %and3A_125 : vector<16xi32>
        %add3A_127 = arith.addi %add3A_123, %and3A_126 : vector<16xi32>
        %add3A_128 = arith.constant 1024 : i32
        %add3A_129 = arith.addi %add3A_128, %mul3A_32 : i32
        %add3A_130 = arith.constant 0 : i32
        %add3A_131 = arith.addi %add3A_130, %add3A_129 : i32
        %swap3A_132 = arith.index_cast %add3A_131 : i32 to index
        %swap3A_133 = tpu.vector_load %arg9[%swap3A_132] {strides = array<i32>} : memref<32768xi32, #tpu.memory_space<vmem>>, vector<16xi32>,
        tpu.vector_store %arg9[%swap3A_132], %add3A_127 {strides = array<i32>} : memref<32768xi32, #tpu.memory_space<vmem>>, vector<16xi32>,
        %add3A_134 = arith.constant 128 : i32
        %add3A_135 = vector.broadcast %add3A_134 : i32 to vector<16xi32>
        %add3A_136 = arith.addi %add3A_127, %add3A_135 : vector<16xi32>
        %add3A_137 = arith.constant 8192 : i32
        %add3A_138 = arith.addi %add3A_137, %add3A_129 : i32
        %swap3A_139 = arith.index_cast %add3A_138 : i32 to index
        %swap3A_140 = tpu.vector_load %arg9[%swap3A_139] {strides = array<i32>} : memref<32768xi32, #tpu.memory_space<vmem>>, vector<16xi32>,
        tpu.vector_store %arg9[%swap3A_139], %add3A_136 {strides = array<i32>} : memref<32768xi32, #tpu.memory_space<vmem>>, vector<16xi32>,
        %xor3A_141 = arith.xori %convert_element_type3A, %add3A_79 : vector<16xi32>
        %xor3A_142 = arith.xori %xor3A_141, %mul3A_73 : vector<16xi32>
        %and3A_143 = arith.constant 524287 : i32
        %and3A_144 = vector.broadcast %and3A_143 : i32 to vector<16xi32>
        %and3A_145 = arith.andi %xor3A_142, %and3A_144 : vector<16xi32>
        %shift_right_arithmetic3A_146 = arith.constant 7 : i32
        %shift_right_arithmetic3A_147 = vector.broadcast %shift_right_arithmetic3A_146 : i32 to vector<16xi32>
        %shift_right_arithmetic3A_148 = arith.shrsi %and3A_145, %shift_right_arithmetic3A_147 : vector<16xi32>
        %shift_left3A_149 = arith.constant 8 : i32
        %shift_left3A_150 = vector.broadcast %shift_left3A_149 : i32 to vector<16xi32>
        %shift_left3A_151 = arith.shli %shift_right_arithmetic3A_148, %shift_left3A_150 : vector<16xi32>
        %add3A_152 = arith.constant 0 : i32
        %add3A_153 = vector.broadcast %add3A_152 : i32 to vector<16xi32>
        %add3A_154 = arith.addi %add3A_153, %shift_left3A_151 : vector<16xi32>
        %and3A_155 = arith.constant 127 : i32
        %and3A_156 = vector.broadcast %and3A_155 : i32 to vector<16xi32>
        %and3A_157 = arith.andi %and3A_145, %and3A_156 : vector<16xi32>
        %add3A_158 = arith.addi %add3A_154, %and3A_157 : vector<16xi32>
        %add3A_159 = arith.constant 2048 : i32
        %add3A_160 = arith.addi %add3A_159, %mul3A_32 : i32
        %add3A_161 = arith.constant 0 : i32
        %add3A_162 = arith.addi %add3A_161, %add3A_160 : i32
        %swap3A_163 = arith.index_cast %add3A_162 : i32 to index
        %swap3A_164 = tpu.vector_load %arg9[%swap3A_163] {strides = array<i32>} : memref<32768xi32, #tpu.memory_space<vmem>>, vector<16xi32>,
        tpu.vector_store %arg9[%swap3A_163], %add3A_158 {strides = array<i32>} : memref<32768xi32, #tpu.memory_space<vmem>>, vector<16xi32>,
        %add3A_165 = arith.constant 128 : i32
        %add3A_166 = vector.broadcast %add3A_165 : i32 to vector<16xi32>
        %add3A_167 = arith.addi %add3A_158, %add3A_166 : vector<16xi32>
        %add3A_168 = arith.constant 8192 : i32
        %add3A_169 = arith.addi %add3A_168, %add3A_160 : i32
        %swap3A_170 = arith.index_cast %add3A_169 : i32 to index
        %swap3A_171 = tpu.vector_load %arg9[%swap3A_170] {strides = array<i32>} : memref<32768xi32, #tpu.memory_space<vmem>>, vector<16xi32>,
        tpu.vector_store %arg9[%swap3A_170], %add3A_167 {strides = array<i32>} : memref<32768xi32, #tpu.memory_space<vmem>>, vector<16xi32>,
        %xor3A_172 = arith.xori %convert_element_type3A, %add3A_79 : vector<16xi32>
        %xor3A_173 = arith.xori %xor3A_172, %add3A_82 : vector<16xi32>
        %and3A_174 = arith.constant 524287 : i32
        %and3A_175 = vector.broadcast %and3A_174 : i32 to vector<16xi32>
        %and3A_176 = arith.andi %xor3A_173, %and3A_175 : vector<16xi32>
        %shift_right_arithmetic3A_177 = arith.constant 7 : i32
        %shift_right_arithmetic3A_178 = vector.broadcast %shift_right_arithmetic3A_177 : i32 to vector<16xi32>
        %shift_right_arithmetic3A_179 = arith.shrsi %and3A_176, %shift_right_arithmetic3A_178 : vector<16xi32>
        %shift_left3A_180 = arith.constant 8 : i32
        %shift_left3A_181 = vector.broadcast %shift_left3A_180 : i32 to vector<16xi32>
        %shift_left3A_182 = arith.shli %shift_right_arithmetic3A_179, %shift_left3A_181 : vector<16xi32>
        %add3A_183 = arith.constant 0 : i32
        %add3A_184 = vector.broadcast %add3A_183 : i32 to vector<16xi32>
        %add3A_185 = arith.addi %add3A_184, %shift_left3A_182 : vector<16xi32>
        %and3A_186 = arith.constant 127 : i32
        %and3A_187 = vector.broadcast %and3A_186 : i32 to vector<16xi32>
        %and3A_188 = arith.andi %and3A_176, %and3A_187 : vector<16xi32>
        %add3A_189 = arith.addi %add3A_185, %and3A_188 : vector<16xi32>
        %add3A_190 = arith.constant 3072 : i32
        %add3A_191 = arith.addi %add3A_190, %mul3A_32 : i32
        %add3A_192 = arith.constant 0 : i32
        %add3A_193 = arith.addi %add3A_192, %add3A_191 : i32
        %swap3A_194 = arith.index_cast %add3A_193 : i32 to index
        %swap3A_195 = tpu.vector_load %arg9[%swap3A_194] {strides = array<i32>} : memref<32768xi32, #tpu.memory_space<vmem>>, vector<16xi32>,
        tpu.vector_store %arg9[%swap3A_194], %add3A_189 {strides = array<i32>} : memref<32768xi32, #tpu.memory_space<vmem>>, vector<16xi32>,
        %add3A_196 = arith.constant 128 : i32
        %add3A_197 = vector.broadcast %add3A_196 : i32 to vector<16xi32>
        %add3A_198 = arith.addi %add3A_189, %add3A_197 : vector<16xi32>
        %add3A_199 = arith.constant 8192 : i32
        %add3A_200 = arith.addi %add3A_199, %add3A_191 : i32
        %swap3A_201 = arith.index_cast %add3A_200 : i32 to index
        %swap3A_202 = tpu.vector_load %arg9[%swap3A_201] {strides = array<i32>} : memref<32768xi32, #tpu.memory_space<vmem>>, vector<16xi32>,
        tpu.vector_store %arg9[%swap3A_201], %add3A_198 {strides = array<i32>} : memref<32768xi32, #tpu.memory_space<vmem>>, vector<16xi32>,
        %xor3A_203 = arith.xori %add3A_76, %mul3A_70 : vector<16xi32>
        %xor3A_204 = arith.xori %xor3A_203, %mul3A_73 : vector<16xi32>
        %and3A_205 = arith.constant 524287 : i32
        %and3A_206 = vector.broadcast %and3A_205 : i32 to vector<16xi32>
        %and3A_207 = arith.andi %xor3A_204, %and3A_206 : vector<16xi32>
        %shift_right_arithmetic3A_208 = arith.constant 7 : i32
        %shift_right_arithmetic3A_209 = vector.broadcast %shift_right_arithmetic3A_208 : i32 to vector<16xi32>
        %shift_right_arithmetic3A_210 = arith.shrsi %and3A_207, %shift_right_arithmetic3A_209 : vector<16xi32>
        %shift_left3A_211 = arith.constant 8 : i32
        %shift_left3A_212 = vector.broadcast %shift_left3A_211 : i32 to vector<16xi32>
        %shift_left3A_213 = arith.shli %shift_right_arithmetic3A_210, %shift_left3A_212 : vector<16xi32>
        %add3A_214 = arith.constant 0 : i32
        %add3A_215 = vector.broadcast %add3A_214 : i32 to vector<16xi32>
        %add3A_216 = arith.addi %add3A_215, %shift_left3A_213 : vector<16xi32>
        %and3A_217 = arith.constant 127 : i32
        %and3A_218 = vector.broadcast %and3A_217 : i32 to vector<16xi32>
        %and3A_219 = arith.andi %and3A_207, %and3A_218 : vector<16xi32>
        %add3A_220 = arith.addi %add3A_216, %and3A_219 : vector<16xi32>
        %add3A_221 = arith.constant 4096 : i32
        %add3A_222 = arith.addi %add3A_221, %mul3A_32 : i32
        %add3A_223 = arith.constant 0 : i32
        %add3A_224 = arith.addi %add3A_223, %add3A_222 : i32
        %swap3A_225 = arith.index_cast %add3A_224 : i32 to index
        %swap3A_226 = tpu.vector_load %arg9[%swap3A_225] {strides = array<i32>} : memref<32768xi32, #tpu.memory_space<vmem>>, vector<16xi32>,
        tpu.vector_store %arg9[%swap3A_225], %add3A_220 {strides = array<i32>} : memref<32768xi32, #tpu.memory_space<vmem>>, vector<16xi32>,
        %add3A_227 = arith.constant 128 : i32
        %add3A_228 = vector.broadcast %add3A_227 : i32 to vector<16xi32>
        %add3A_229 = arith.addi %add3A_220, %add3A_228 : vector<16xi32>
        %add3A_230 = arith.constant 8192 : i32
        %add3A_231 = arith.addi %add3A_230, %add3A_222 : i32
        %swap3A_232 = arith.index_cast %add3A_231 : i32 to index
        %swap3A_233 = tpu.vector_load %arg9[%swap3A_232] {strides = array<i32>} : memref<32768xi32, #tpu.memory_space<vmem>>, vector<16xi32>,
        tpu.vector_store %arg9[%swap3A_232], %add3A_229 {strides = array<i32>} : memref<32768xi32, #tpu.memory_space<vmem>>, vector<16xi32>,
        %xor3A_234 = arith.xori %add3A_76, %mul3A_70 : vector<16xi32>
        %xor3A_235 = arith.xori %xor3A_234, %add3A_82 : vector<16xi32>
        %and3A_236 = arith.constant 524287 : i32
        %and3A_237 = vector.broadcast %and3A_236 : i32 to vector<16xi32>
        %and3A_238 = arith.andi %xor3A_235, %and3A_237 : vector<16xi32>
        %shift_right_arithmetic3A_239 = arith.constant 7 : i32
        %shift_right_arithmetic3A_240 = vector.broadcast %shift_right_arithmetic3A_239 : i32 to vector<16xi32>
        %shift_right_arithmetic3A_241 = arith.shrsi %and3A_238, %shift_right_arithmetic3A_240 : vector<16xi32>
        %shift_left3A_242 = arith.constant 8 : i32
        %shift_left3A_243 = vector.broadcast %shift_left3A_242 : i32 to vector<16xi32>
        %shift_left3A_244 = arith.shli %shift_right_arithmetic3A_241, %shift_left3A_243 : vector<16xi32>
        %add3A_245 = arith.constant 0 : i32
        %add3A_246 = vector.broadcast %add3A_245 : i32 to vector<16xi32>
        %add3A_247 = arith.addi %add3A_246, %shift_left3A_244 : vector<16xi32>
        %and3A_248 = arith.constant 127 : i32
        %and3A_249 = vector.broadcast %and3A_248 : i32 to vector<16xi32>
        %and3A_250 = arith.andi %and3A_238, %and3A_249 : vector<16xi32>
        %add3A_251 = arith.addi %add3A_247, %and3A_250 : vector<16xi32>
        %add3A_252 = arith.constant 5120 : i32
        %add3A_253 = arith.addi %add3A_252, %mul3A_32 : i32
        %add3A_254 = arith.constant 0 : i32
        %add3A_255 = arith.addi %add3A_254, %add3A_253 : i32
        %swap3A_256 = arith.index_cast %add3A_255 : i32 to index
        %swap3A_257 = tpu.vector_load %arg9[%swap3A_256] {strides = array<i32>} : memref<32768xi32, #tpu.memory_space<vmem>>, vector<16xi32>,
        tpu.vector_store %arg9[%swap3A_256], %add3A_251 {strides = array<i32>} : memref<32768xi32, #tpu.memory_space<vmem>>, vector<16xi32>,
        %add3A_258 = arith.constant 128 : i32
        %add3A_259 = vector.broadcast %add3A_258 : i32 to vector<16xi32>
        %add3A_260 = arith.addi %add3A_251, %add3A_259 : vector<16xi32>
        %add3A_261 = arith.constant 8192 : i32
        %add3A_262 = arith.addi %add3A_261, %add3A_253 : i32
        %swap3A_263 = arith.index_cast %add3A_262 : i32 to index
        %swap3A_264 = tpu.vector_load %arg9[%swap3A_263] {strides = array<i32>} : memref<32768xi32, #tpu.memory_space<vmem>>, vector<16xi32>,
        tpu.vector_store %arg9[%swap3A_263], %add3A_260 {strides = array<i32>} : memref<32768xi32, #tpu.memory_space<vmem>>, vector<16xi32>,
        %xor3A_265 = arith.xori %add3A_76, %add3A_79 : vector<16xi32>
        %xor3A_266 = arith.xori %xor3A_265, %mul3A_73 : vector<16xi32>
        %and3A_267 = arith.constant 524287 : i32
        %and3A_268 = vector.broadcast %and3A_267 : i32 to vector<16xi32>
        %and3A_269 = arith.andi %xor3A_266, %and3A_268 : vector<16xi32>
        %shift_right_arithmetic3A_270 = arith.constant 7 : i32
        %shift_right_arithmetic3A_271 = vector.broadcast %shift_right_arithmetic3A_270 : i32 to vector<16xi32>
        %shift_right_arithmetic3A_272 = arith.shrsi %and3A_269, %shift_right_arithmetic3A_271 : vector<16xi32>
        %shift_left3A_273 = arith.constant 8 : i32
        %shift_left3A_274 = vector.broadcast %shift_left3A_273 : i32 to vector<16xi32>
        %shift_left3A_275 = arith.shli %shift_right_arithmetic3A_272, %shift_left3A_274 : vector<16xi32>
        %add3A_276 = arith.constant 0 : i32
        %add3A_277 = vector.broadcast %add3A_276 : i32 to vector<16xi32>
        %add3A_278 = arith.addi %add3A_277, %shift_left3A_275 : vector<16xi32>
        %and3A_279 = arith.constant 127 : i32
        %and3A_280 = vector.broadcast %and3A_279 : i32 to vector<16xi32>
        %and3A_281 = arith.andi %and3A_269, %and3A_280 : vector<16xi32>
        %add3A_282 = arith.addi %add3A_278, %and3A_281 : vector<16xi32>
        %add3A_283 = arith.constant 6144 : i32
        %add3A_284 = arith.addi %add3A_283, %mul3A_32 : i32
        %add3A_285 = arith.constant 0 : i32
        %add3A_286 = arith.addi %add3A_285, %add3A_284 : i32
        %swap3A_287 = arith.index_cast %add3A_286 : i32 to index
        %swap3A_288 = tpu.vector_load %arg9[%swap3A_287] {strides = array<i32>} : memref<32768xi32, #tpu.memory_space<vmem>>, vector<16xi32>,
        tpu.vector_store %arg9[%swap3A_287], %add3A_282 {strides = array<i32>} : memref<32768xi32, #tpu.memory_space<vmem>>, vector<16xi32>,
        %add3A_289 = arith.constant 128 : i32
        %add3A_290 = vector.broadcast %add3A_289 : i32 to vector<16xi32>
        %add3A_291 = arith.addi %add3A_282, %add3A_290 : vector<16xi32>
        %add3A_292 = arith.constant 8192 : i32
        %add3A_293 = arith.addi %add3A_292, %add3A_284 : i32
        %swap3A_294 = arith.index_cast %add3A_293 : i32 to index
        %swap3A_295 = tpu.vector_load %arg9[%swap3A_294] {strides = array<i32>} : memref<32768xi32, #tpu.memory_space<vmem>>, vector<16xi32>,
        tpu.vector_store %arg9[%swap3A_294], %add3A_291 {strides = array<i32>} : memref<32768xi32, #tpu.memory_space<vmem>>, vector<16xi32>,
        %xor3A_296 = arith.xori %add3A_76, %add3A_79 : vector<16xi32>
        %xor3A_297 = arith.xori %xor3A_296, %add3A_82 : vector<16xi32>
        %and3A_298 = arith.constant 524287 : i32
        %and3A_299 = vector.broadcast %and3A_298 : i32 to vector<16xi32>
        %and3A_300 = arith.andi %xor3A_297, %and3A_299 : vector<16xi32>
        %shift_right_arithmetic3A_301 = arith.constant 7 : i32
        %shift_right_arithmetic3A_302 = vector.broadcast %shift_right_arithmetic3A_301 : i32 to vector<16xi32>
        %shift_right_arithmetic3A_303 = arith.shrsi %and3A_300, %shift_right_arithmetic3A_302 : vector<16xi32>
        %shift_left3A_304 = arith.constant 8 : i32
        %shift_left3A_305 = vector.broadcast %shift_left3A_304 : i32 to vector<16xi32>
        %shift_left3A_306 = arith.shli %shift_right_arithmetic3A_303, %shift_left3A_305 : vector<16xi32>
        %add3A_307 = arith.constant 0 : i32
        %add3A_308 = vector.broadcast %add3A_307 : i32 to vector<16xi32>
        %add3A_309 = arith.addi %add3A_308, %shift_left3A_306 : vector<16xi32>
        %and3A_310 = arith.constant 127 : i32
        %and3A_311 = vector.broadcast %and3A_310 : i32 to vector<16xi32>
        %and3A_312 = arith.andi %and3A_300, %and3A_311 : vector<16xi32>
        %add3A_313 = arith.addi %add3A_309, %and3A_312 : vector<16xi32>
        %add3A_314 = arith.constant 7168 : i32
        %add3A_315 = arith.addi %add3A_314, %mul3A_32 : i32
        %add3A_316 = arith.constant 0 : i32
        %add3A_317 = arith.addi %add3A_316, %add3A_315 : i32
        %swap3A_318 = arith.index_cast %add3A_317 : i32 to index
        %swap3A_319 = tpu.vector_load %arg9[%swap3A_318] {strides = array<i32>} : memref<32768xi32, #tpu.memory_space<vmem>>, vector<16xi32>,
        tpu.vector_store %arg9[%swap3A_318], %add3A_313 {strides = array<i32>} : memref<32768xi32, #tpu.memory_space<vmem>>, vector<16xi32>,
        %add3A_320 = arith.constant 128 : i32
        %add3A_321 = vector.broadcast %add3A_320 : i32 to vector<16xi32>
        %add3A_322 = arith.addi %add3A_313, %add3A_321 : vector<16xi32>
        %add3A_323 = arith.constant 8192 : i32
        %add3A_324 = arith.addi %add3A_323, %add3A_315 : i32
        %swap3A_325 = arith.index_cast %add3A_324 : i32 to index
        %swap3A_326 = tpu.vector_load %arg9[%swap3A_325] {strides = array<i32>} : memref<32768xi32, #tpu.memory_space<vmem>>, vector<16xi32>,
        tpu.vector_store %arg9[%swap3A_325], %add3A_322 {strides = array<i32>} : memref<32768xi32, #tpu.memory_space<vmem>>, vector<16xi32>,
      }
      %scan3A_17 = arith.constant 64 : i32
      %scan3A_18 = arith.constant 0 : i32
      %scan3A_19 = arith.constant 16 : i32
      %scan3A_20 = arith.addi %scan3A_18, %scan3A_19 : i32
      %scan3A_21 = arith.constant 1 : i32
      scf.for %scan3A_30 = %scan3A_18 to %scan3A_20 step %scan3A_21  : i32 {
        %and3A = arith.constant 1 : i32
        %and3A_31 = arith.andi %scan3A_30, %and3A : i32
        %mul3A_32 = arith.constant 2 : i32
        %mul3A_33 = arith.muli %and3A_31, %mul3A_32 : i32
        %mul3A_34 = arith.constant 8192 : i32
        %mul3A_35 = arith.muli %mul3A_33, %mul3A_34 : i32
        %mul3A_36 = arith.constant 3 : i32
        %mul3A_37 = arith.muli %and3A_31, %mul3A_36 : i32
        %mul3A_38 = arith.constant 1024 : i32
        %mul3A_39 = arith.muli %mul3A_37, %mul3A_38 : i32
        %sub3A = arith.constant 1 : i32
        %sub3A_40 = arith.subi %sub3A, %and3A_31 : i32
        %mul3A_41 = arith.constant 2 : i32
        %mul3A_42 = arith.muli %sub3A_40, %mul3A_41 : i32
        %mul3A_43 = arith.constant 8192 : i32
        %mul3A_44 = arith.muli %mul3A_42, %mul3A_43 : i32
        %sub3A_45 = arith.constant 1 : i32
        %sub3A_46 = arith.subi %sub3A_45, %and3A_31 : i32
        %mul3A_47 = arith.constant 3 : i32
        %mul3A_48 = arith.muli %sub3A_46, %mul3A_47 : i32
        %mul3A_49 = arith.constant 1024 : i32
        %mul3A_50 = arith.muli %mul3A_48, %mul3A_49 : i32
        %dma_start3A = tpu.memref_slice %arg10[%mul3A_35] : memref<32768xf32, #tpu.memory_space<vmem>> -> memref<16384xf32, #tpu.memory_space<vmem>>
        %dma_start3A_51 = tpu.memref_slice %arg9[%mul3A_35] : memref<32768xi32, #tpu.memory_space<vmem>> -> memref<16384xi32, #tpu.memory_space<vmem>>
        %dma_start3A_52 = arith.constant 0 : i32
        %dma_start3A_53 = tpu.memref_slice %arg4[%dma_start3A_52] : memref<16777216xf32, #tpu.memory_space<hbm>> -> memref<16777216xf32, #tpu.memory_space<hbm>>
        tpu.enqueue_indirect_dma source(%dma_start3A_53 : memref<16777216xf32, #tpu.memory_space<hbm>>) target(%dma_start3A : memref<16384xf32, #tpu.memory_space<vmem>>) offsets(%dma_start3A_51 : memref<16384xi32, #tpu.memory_space<vmem>>) semaphore(%arg12 : memref<!tpu.dma_semaphore, #tpu.memory_space<semaphore_mem>>)
        %eq3A = arith.constant 0 : i32
        %eq3A_54 = arith.cmpi eq, %scan3A_30, %eq3A : i32
        %convert_element_type3A = arith.extui %eq3A_54 : i1 to i32
        %cond3A = arith.constant 0 : i32
        %cond3A_55 = arith.cmpi ne, %convert_element_type3A, %cond3A : i32
        scf.if %cond3A_55 {
          %get3A_70 = arith.constant 16 : index
          %get3A_71 = tpu.vector_load %arg8[%get3A_70] {strides = array<i32>} : memref<256xf32, #tpu.memory_space<vmem>>, vector<16xf32>,
          %scan3A_72 = arith.constant 0 : i32
          %scan3A_73 = arith.constant 64 : i32
          %scan3A_74 = arith.addi %scan3A_72, %scan3A_73 : i32
          %scan3A_75 = arith.constant 1 : i32
          scf.for %scan3A_77 = %scan3A_72 to %scan3A_74 step %scan3A_75  : i32 {
            %mul3A_78 = arith.constant 16 : i32
            %mul3A_79 = arith.muli %scan3A_77, %mul3A_78 : i32
            %add3A_80 = arith.addi %mul3A_11, %mul3A_79 : i32
            %add3A_81 = vector.broadcast %add3A_80 : i32 to vector<16xi32>
            %add3A_82 = arith.addi %add3A_81, %iota3A : vector<16xi32>
            %mul3A_83 = arith.constant 3 : i32
            %mul3A_84 = vector.broadcast %mul3A_83 : i32 to vector<16xi32>
            %mul3A_85 = arith.muli %add3A_82, %mul3A_84 : vector<16xi32>
            %gather3A = tpu.vector_load_idx %arg6[%mul3A_85] : memref<6144xf32, #tpu.memory_space<vmem>>[vector<16xi32>], vector<16xf32>,
            %mul3A_86 = arith.mulf %gather3A, %get3A_71 : vector<16xf32>
            %add3A_87 = arith.constant 1 : i32
            %add3A_88 = vector.broadcast %add3A_87 : i32 to vector<16xi32>
            %add3A_89 = arith.addi %mul3A_85, %add3A_88 : vector<16xi32>
            %gather3A_90 = tpu.vector_load_idx %arg6[%add3A_89] : memref<6144xf32, #tpu.memory_space<vmem>>[vector<16xi32>], vector<16xf32>,
            %mul3A_91 = arith.mulf %gather3A_90, %get3A_71 : vector<16xf32>
            %add3A_92 = arith.constant 2 : i32
            %add3A_93 = vector.broadcast %add3A_92 : i32 to vector<16xi32>
            %add3A_94 = arith.addi %mul3A_85, %add3A_93 : vector<16xi32>
            %gather3A_95 = tpu.vector_load_idx %arg6[%add3A_94] : memref<6144xf32, #tpu.memory_space<vmem>>[vector<16xi32>], vector<16xf32>,
            %mul3A_96 = arith.mulf %gather3A_95, %get3A_71 : vector<16xf32>
            %convert_element_type3A_97 = arith.fptosi %mul3A_86 : vector<16xf32> to vector<16xi32>
            %convert_element_type3A_98 = arith.fptosi %mul3A_91 : vector<16xf32> to vector<16xi32>
            %convert_element_type3A_99 = arith.fptosi %mul3A_96 : vector<16xf32> to vector<16xi32>
            %convert_element_type3A_100 = arith.sitofp %convert_element_type3A_97 : vector<16xi32> to vector<16xf32>
            %sub3A_101 = arith.subf %mul3A_86, %convert_element_type3A_100 : vector<16xf32>
            %add3A_102 = arith.addi %mul3A_50, %mul3A_79 : i32
            %swap3A = arith.index_cast %add3A_102 : i32 to index
            %swap3A_103 = tpu.vector_load %arg7[%swap3A] {strides = array<i32>} : memref<6144xf32, #tpu.memory_space<vmem>>, vector<16xf32>,
            tpu.vector_store %arg7[%swap3A], %sub3A_101 {strides = array<i32>} : memref<6144xf32, #tpu.memory_space<vmem>>, vector<16xf32>,
            %convert_element_type3A_104 = arith.sitofp %convert_element_type3A_98 : vector<16xi32> to vector<16xf32>
            %sub3A_105 = arith.subf %mul3A_91, %convert_element_type3A_104 : vector<16xf32>
            %add3A_106 = arith.constant 1024 : i32
            %add3A_107 = arith.addi %mul3A_50, %add3A_106 : i32
            %add3A_108 = arith.addi %add3A_107, %mul3A_79 : i32
            %swap3A_109 = arith.index_cast %add3A_108 : i32 to index
            %swap3A_110 = tpu.vector_load %arg7[%swap3A_109] {strides = array<i32>} : memref<6144xf32, #tpu.memory_space<vmem>>, vector<16xf32>,
            tpu.vector_store %arg7[%swap3A_109], %sub3A_105 {strides = array<i32>} : memref<6144xf32, #tpu.memory_space<vmem>>, vector<16xf32>,
            %convert_element_type3A_111 = arith.sitofp %convert_element_type3A_99 : vector<16xi32> to vector<16xf32>
            %sub3A_112 = arith.subf %mul3A_96, %convert_element_type3A_111 : vector<16xf32>
            %add3A_113 = arith.constant 2048 : i32
            %add3A_114 = arith.addi %mul3A_50, %add3A_113 : i32
            %add3A_115 = arith.addi %add3A_114, %mul3A_79 : i32
            %swap3A_116 = arith.index_cast %add3A_115 : i32 to index
            %swap3A_117 = tpu.vector_load %arg7[%swap3A_116] {strides = array<i32>} : memref<6144xf32, #tpu.memory_space<vmem>>, vector<16xf32>,
            tpu.vector_store %arg7[%swap3A_116], %sub3A_112 {strides = array<i32>} : memref<6144xf32, #tpu.memory_space<vmem>>, vector<16xf32>,
            %mul3A_118 = arith.constant -1640531535 : i32
            %mul3A_119 = vector.broadcast %mul3A_118 : i32 to vector<16xi32>
            %mul3A_120 = arith.muli %convert_element_type3A_98, %mul3A_119 : vector<16xi32>
            %mul3A_121 = arith.constant 805459861 : i32
            %mul3A_122 = vector.broadcast %mul3A_121 : i32 to vector<16xi32>
            %mul3A_123 = arith.muli %convert_element_type3A_99, %mul3A_122 : vector<16xi32>
            %add3A_124 = arith.constant 1 : i32
            %add3A_125 = vector.broadcast %add3A_124 : i32 to vector<16xi32>
            %add3A_126 = arith.addi %convert_element_type3A_97, %add3A_125 : vector<16xi32>
            %add3A_127 = arith.constant -1640531535 : i32
            %add3A_128 = vector.broadcast %add3A_127 : i32 to vector<16xi32>
            %add3A_129 = arith.addi %mul3A_120, %add3A_128 : vector<16xi32>
            %add3A_130 = arith.constant 805459861 : i32
            %add3A_131 = vector.broadcast %add3A_130 : i32 to vector<16xi32>
            %add3A_132 = arith.addi %mul3A_123, %add3A_131 : vector<16xi32>
            %xor3A = arith.xori %convert_element_type3A_97, %mul3A_120 : vector<16xi32>
            %xor3A_133 = arith.xori %xor3A, %mul3A_123 : vector<16xi32>
            %and3A_134 = arith.constant 524287 : i32
            %and3A_135 = vector.broadcast %and3A_134 : i32 to vector<16xi32>
            %and3A_136 = arith.andi %xor3A_133, %and3A_135 : vector<16xi32>
            %shift_right_arithmetic3A = arith.constant 7 : i32
            %shift_right_arithmetic3A_137 = vector.broadcast %shift_right_arithmetic3A : i32 to vector<16xi32>
            %shift_right_arithmetic3A_138 = arith.shrsi %and3A_136, %shift_right_arithmetic3A_137 : vector<16xi32>
            %shift_left3A = arith.constant 8 : i32
            %shift_left3A_139 = vector.broadcast %shift_left3A : i32 to vector<16xi32>
            %shift_left3A_140 = arith.shli %shift_right_arithmetic3A_138, %shift_left3A_139 : vector<16xi32>
            %add3A_141 = arith.constant 1048576 : i32
            %add3A_142 = vector.broadcast %add3A_141 : i32 to vector<16xi32>
            %add3A_143 = arith.addi %add3A_142, %shift_left3A_140 : vector<16xi32>
            %and3A_144 = arith.constant 127 : i32
            %and3A_145 = vector.broadcast %and3A_144 : i32 to vector<16xi32>
            %and3A_146 = arith.andi %and3A_136, %and3A_145 : vector<16xi32>
            %add3A_147 = arith.addi %add3A_143, %and3A_146 : vector<16xi32>
            %add3A_148 = arith.constant 0 : i32
            %add3A_149 = arith.addi %add3A_148, %mul3A_79 : i32
            %add3A_150 = arith.addi %mul3A_44, %add3A_149 : i32
            %swap3A_151 = arith.index_cast %add3A_150 : i32 to index
            %swap3A_152 = tpu.vector_load %arg9[%swap3A_151] {strides = array<i32>} : memref<32768xi32, #tpu.memory_space<vmem>>, vector<16xi32>,
            tpu.vector_store %arg9[%swap3A_151], %add3A_147 {strides = array<i32>} : memref<32768xi32, #tpu.memory_space<vmem>>, vector<16xi32>,
            %add3A_153 = arith.constant 128 : i32
            %add3A_154 = vector.broadcast %add3A_153 : i32 to vector<16xi32>
            %add3A_155 = arith.addi %add3A_147, %add3A_154 : vector<16xi32>
            %add3A_156 = arith.constant 8192 : i32
            %add3A_157 = arith.addi %mul3A_44, %add3A_156 : i32
            %add3A_158 = arith.addi %add3A_157, %add3A_149 : i32
            %swap3A_159 = arith.index_cast %add3A_158 : i32 to index
            %swap3A_160 = tpu.vector_load %arg9[%swap3A_159] {strides = array<i32>} : memref<32768xi32, #tpu.memory_space<vmem>>, vector<16xi32>,
            tpu.vector_store %arg9[%swap3A_159], %add3A_155 {strides = array<i32>} : memref<32768xi32, #tpu.memory_space<vmem>>, vector<16xi32>,
            %xor3A_161 = arith.xori %convert_element_type3A_97, %mul3A_120 : vector<16xi32>
            %xor3A_162 = arith.xori %xor3A_161, %add3A_132 : vector<16xi32>
            %and3A_163 = arith.constant 524287 : i32
            %and3A_164 = vector.broadcast %and3A_163 : i32 to vector<16xi32>
            %and3A_165 = arith.andi %xor3A_162, %and3A_164 : vector<16xi32>
            %shift_right_arithmetic3A_166 = arith.constant 7 : i32
            %shift_right_arithmetic3A_167 = vector.broadcast %shift_right_arithmetic3A_166 : i32 to vector<16xi32>
            %shift_right_arithmetic3A_168 = arith.shrsi %and3A_165, %shift_right_arithmetic3A_167 : vector<16xi32>
            %shift_left3A_169 = arith.constant 8 : i32
            %shift_left3A_170 = vector.broadcast %shift_left3A_169 : i32 to vector<16xi32>
            %shift_left3A_171 = arith.shli %shift_right_arithmetic3A_168, %shift_left3A_170 : vector<16xi32>
            %add3A_172 = arith.constant 1048576 : i32
            %add3A_173 = vector.broadcast %add3A_172 : i32 to vector<16xi32>
            %add3A_174 = arith.addi %add3A_173, %shift_left3A_171 : vector<16xi32>
            %and3A_175 = arith.constant 127 : i32
            %and3A_176 = vector.broadcast %and3A_175 : i32 to vector<16xi32>
            %and3A_177 = arith.andi %and3A_165, %and3A_176 : vector<16xi32>
            %add3A_178 = arith.addi %add3A_174, %and3A_177 : vector<16xi32>
            %add3A_179 = arith.constant 1024 : i32
            %add3A_180 = arith.addi %add3A_179, %mul3A_79 : i32
            %add3A_181 = arith.addi %mul3A_44, %add3A_180 : i32
            %swap3A_182 = arith.index_cast %add3A_181 : i32 to index
            %swap3A_183 = tpu.vector_load %arg9[%swap3A_182] {strides = array<i32>} : memref<32768xi32, #tpu.memory_space<vmem>>, vector<16xi32>,
            tpu.vector_store %arg9[%swap3A_182], %add3A_178 {strides = array<i32>} : memref<32768xi32, #tpu.memory_space<vmem>>, vector<16xi32>,
            %add3A_184 = arith.constant 128 : i32
            %add3A_185 = vector.broadcast %add3A_184 : i32 to vector<16xi32>
            %add3A_186 = arith.addi %add3A_178, %add3A_185 : vector<16xi32>
            %add3A_187 = arith.constant 8192 : i32
            %add3A_188 = arith.addi %mul3A_44, %add3A_187 : i32
            %add3A_189 = arith.addi %add3A_188, %add3A_180 : i32
            %swap3A_190 = arith.index_cast %add3A_189 : i32 to index
            %swap3A_191 = tpu.vector_load %arg9[%swap3A_190] {strides = array<i32>} : memref<32768xi32, #tpu.memory_space<vmem>>, vector<16xi32>,
            tpu.vector_store %arg9[%swap3A_190], %add3A_186 {strides = array<i32>} : memref<32768xi32, #tpu.memory_space<vmem>>, vector<16xi32>,
            %xor3A_192 = arith.xori %convert_element_type3A_97, %add3A_129 : vector<16xi32>
            %xor3A_193 = arith.xori %xor3A_192, %mul3A_123 : vector<16xi32>
            %and3A_194 = arith.constant 524287 : i32
            %and3A_195 = vector.broadcast %and3A_194 : i32 to vector<16xi32>
            %and3A_196 = arith.andi %xor3A_193, %and3A_195 : vector<16xi32>
            %shift_right_arithmetic3A_197 = arith.constant 7 : i32
            %shift_right_arithmetic3A_198 = vector.broadcast %shift_right_arithmetic3A_197 : i32 to vector<16xi32>
            %shift_right_arithmetic3A_199 = arith.shrsi %and3A_196, %shift_right_arithmetic3A_198 : vector<16xi32>
            %shift_left3A_200 = arith.constant 8 : i32
            %shift_left3A_201 = vector.broadcast %shift_left3A_200 : i32 to vector<16xi32>
            %shift_left3A_202 = arith.shli %shift_right_arithmetic3A_199, %shift_left3A_201 : vector<16xi32>
            %add3A_203 = arith.constant 1048576 : i32
            %add3A_204 = vector.broadcast %add3A_203 : i32 to vector<16xi32>
            %add3A_205 = arith.addi %add3A_204, %shift_left3A_202 : vector<16xi32>
            %and3A_206 = arith.constant 127 : i32
            %and3A_207 = vector.broadcast %and3A_206 : i32 to vector<16xi32>
            %and3A_208 = arith.andi %and3A_196, %and3A_207 : vector<16xi32>
            %add3A_209 = arith.addi %add3A_205, %and3A_208 : vector<16xi32>
            %add3A_210 = arith.constant 2048 : i32
            %add3A_211 = arith.addi %add3A_210, %mul3A_79 : i32
            %add3A_212 = arith.addi %mul3A_44, %add3A_211 : i32
            %swap3A_213 = arith.index_cast %add3A_212 : i32 to index
            %swap3A_214 = tpu.vector_load %arg9[%swap3A_213] {strides = array<i32>} : memref<32768xi32, #tpu.memory_space<vmem>>, vector<16xi32>,
            tpu.vector_store %arg9[%swap3A_213], %add3A_209 {strides = array<i32>} : memref<32768xi32, #tpu.memory_space<vmem>>, vector<16xi32>,
            %add3A_215 = arith.constant 128 : i32
            %add3A_216 = vector.broadcast %add3A_215 : i32 to vector<16xi32>
            %add3A_217 = arith.addi %add3A_209, %add3A_216 : vector<16xi32>
            %add3A_218 = arith.constant 8192 : i32
            %add3A_219 = arith.addi %mul3A_44, %add3A_218 : i32
            %add3A_220 = arith.addi %add3A_219, %add3A_211 : i32
            %swap3A_221 = arith.index_cast %add3A_220 : i32 to index
            %swap3A_222 = tpu.vector_load %arg9[%swap3A_221] {strides = array<i32>} : memref<32768xi32, #tpu.memory_space<vmem>>, vector<16xi32>,
            tpu.vector_store %arg9[%swap3A_221], %add3A_217 {strides = array<i32>} : memref<32768xi32, #tpu.memory_space<vmem>>, vector<16xi32>,
            %xor3A_223 = arith.xori %convert_element_type3A_97, %add3A_129 : vector<16xi32>
            %xor3A_224 = arith.xori %xor3A_223, %add3A_132 : vector<16xi32>
            %and3A_225 = arith.constant 524287 : i32
            %and3A_226 = vector.broadcast %and3A_225 : i32 to vector<16xi32>
            %and3A_227 = arith.andi %xor3A_224, %and3A_226 : vector<16xi32>
            %shift_right_arithmetic3A_228 = arith.constant 7 : i32
            %shift_right_arithmetic3A_229 = vector.broadcast %shift_right_arithmetic3A_228 : i32 to vector<16xi32>
            %shift_right_arithmetic3A_230 = arith.shrsi %and3A_227, %shift_right_arithmetic3A_229 : vector<16xi32>
            %shift_left3A_231 = arith.constant 8 : i32
            %shift_left3A_232 = vector.broadcast %shift_left3A_231 : i32 to vector<16xi32>
            %shift_left3A_233 = arith.shli %shift_right_arithmetic3A_230, %shift_left3A_232 : vector<16xi32>
            %add3A_234 = arith.constant 1048576 : i32
            %add3A_235 = vector.broadcast %add3A_234 : i32 to vector<16xi32>
            %add3A_236 = arith.addi %add3A_235, %shift_left3A_233 : vector<16xi32>
            %and3A_237 = arith.constant 127 : i32
            %and3A_238 = vector.broadcast %and3A_237 : i32 to vector<16xi32>
            %and3A_239 = arith.andi %and3A_227, %and3A_238 : vector<16xi32>
            %add3A_240 = arith.addi %add3A_236, %and3A_239 : vector<16xi32>
            %add3A_241 = arith.constant 3072 : i32
            %add3A_242 = arith.addi %add3A_241, %mul3A_79 : i32
            %add3A_243 = arith.addi %mul3A_44, %add3A_242 : i32
            %swap3A_244 = arith.index_cast %add3A_243 : i32 to index
            %swap3A_245 = tpu.vector_load %arg9[%swap3A_244] {strides = array<i32>} : memref<32768xi32, #tpu.memory_space<vmem>>, vector<16xi32>,
            tpu.vector_store %arg9[%swap3A_244], %add3A_240 {strides = array<i32>} : memref<32768xi32, #tpu.memory_space<vmem>>, vector<16xi32>,
            %add3A_246 = arith.constant 128 : i32
            %add3A_247 = vector.broadcast %add3A_246 : i32 to vector<16xi32>
            %add3A_248 = arith.addi %add3A_240, %add3A_247 : vector<16xi32>
            %add3A_249 = arith.constant 8192 : i32
            %add3A_250 = arith.addi %mul3A_44, %add3A_249 : i32
            %add3A_251 = arith.addi %add3A_250, %add3A_242 : i32
            %swap3A_252 = arith.index_cast %add3A_251 : i32 to index
            %swap3A_253 = tpu.vector_load %arg9[%swap3A_252] {strides = array<i32>} : memref<32768xi32, #tpu.memory_space<vmem>>, vector<16xi32>,
            tpu.vector_store %arg9[%swap3A_252], %add3A_248 {strides = array<i32>} : memref<32768xi32, #tpu.memory_space<vmem>>, vector<16xi32>,
            %xor3A_254 = arith.xori %add3A_126, %mul3A_120 : vector<16xi32>
            %xor3A_255 = arith.xori %xor3A_254, %mul3A_123 : vector<16xi32>
            %and3A_256 = arith.constant 524287 : i32
            %and3A_257 = vector.broadcast %and3A_256 : i32 to vector<16xi32>
            %and3A_258 = arith.andi %xor3A_255, %and3A_257 : vector<16xi32>
            %shift_right_arithmetic3A_259 = arith.constant 7 : i32
            %shift_right_arithmetic3A_260 = vector.broadcast %shift_right_arithmetic3A_259 : i32 to vector<16xi32>
            %shift_right_arithmetic3A_261 = arith.shrsi %and3A_258, %shift_right_arithmetic3A_260 : vector<16xi32>
            %shift_left3A_262 = arith.constant 8 : i32
            %shift_left3A_263 = vector.broadcast %shift_left3A_262 : i32 to vector<16xi32>
            %shift_left3A_264 = arith.shli %shift_right_arithmetic3A_261, %shift_left3A_263 : vector<16xi32>
            %add3A_265 = arith.constant 1048576 : i32
            %add3A_266 = vector.broadcast %add3A_265 : i32 to vector<16xi32>
            %add3A_267 = arith.addi %add3A_266, %shift_left3A_264 : vector<16xi32>
            %and3A_268 = arith.constant 127 : i32
            %and3A_269 = vector.broadcast %and3A_268 : i32 to vector<16xi32>
            %and3A_270 = arith.andi %and3A_258, %and3A_269 : vector<16xi32>
            %add3A_271 = arith.addi %add3A_267, %and3A_270 : vector<16xi32>
            %add3A_272 = arith.constant 4096 : i32
            %add3A_273 = arith.addi %add3A_272, %mul3A_79 : i32
            %add3A_274 = arith.addi %mul3A_44, %add3A_273 : i32
            %swap3A_275 = arith.index_cast %add3A_274 : i32 to index
            %swap3A_276 = tpu.vector_load %arg9[%swap3A_275] {strides = array<i32>} : memref<32768xi32, #tpu.memory_space<vmem>>, vector<16xi32>,
            tpu.vector_store %arg9[%swap3A_275], %add3A_271 {strides = array<i32>} : memref<32768xi32, #tpu.memory_space<vmem>>, vector<16xi32>,
            %add3A_277 = arith.constant 128 : i32
            %add3A_278 = vector.broadcast %add3A_277 : i32 to vector<16xi32>
            %add3A_279 = arith.addi %add3A_271, %add3A_278 : vector<16xi32>
            %add3A_280 = arith.constant 8192 : i32
            %add3A_281 = arith.addi %mul3A_44, %add3A_280 : i32
            %add3A_282 = arith.addi %add3A_281, %add3A_273 : i32
            %swap3A_283 = arith.index_cast %add3A_282 : i32 to index
            %swap3A_284 = tpu.vector_load %arg9[%swap3A_283] {strides = array<i32>} : memref<32768xi32, #tpu.memory_space<vmem>>, vector<16xi32>,
            tpu.vector_store %arg9[%swap3A_283], %add3A_279 {strides = array<i32>} : memref<32768xi32, #tpu.memory_space<vmem>>, vector<16xi32>,
            %xor3A_285 = arith.xori %add3A_126, %mul3A_120 : vector<16xi32>
            %xor3A_286 = arith.xori %xor3A_285, %add3A_132 : vector<16xi32>
            %and3A_287 = arith.constant 524287 : i32
            %and3A_288 = vector.broadcast %and3A_287 : i32 to vector<16xi32>
            %and3A_289 = arith.andi %xor3A_286, %and3A_288 : vector<16xi32>
            %shift_right_arithmetic3A_290 = arith.constant 7 : i32
            %shift_right_arithmetic3A_291 = vector.broadcast %shift_right_arithmetic3A_290 : i32 to vector<16xi32>
            %shift_right_arithmetic3A_292 = arith.shrsi %and3A_289, %shift_right_arithmetic3A_291 : vector<16xi32>
            %shift_left3A_293 = arith.constant 8 : i32
            %shift_left3A_294 = vector.broadcast %shift_left3A_293 : i32 to vector<16xi32>
            %shift_left3A_295 = arith.shli %shift_right_arithmetic3A_292, %shift_left3A_294 : vector<16xi32>
            %add3A_296 = arith.constant 1048576 : i32
            %add3A_297 = vector.broadcast %add3A_296 : i32 to vector<16xi32>
            %add3A_298 = arith.addi %add3A_297, %shift_left3A_295 : vector<16xi32>
            %and3A_299 = arith.constant 127 : i32
            %and3A_300 = vector.broadcast %and3A_299 : i32 to vector<16xi32>
            %and3A_301 = arith.andi %and3A_289, %and3A_300 : vector<16xi32>
            %add3A_302 = arith.addi %add3A_298, %and3A_301 : vector<16xi32>
            %add3A_303 = arith.constant 5120 : i32
            %add3A_304 = arith.addi %add3A_303, %mul3A_79 : i32
            %add3A_305 = arith.addi %mul3A_44, %add3A_304 : i32
            %swap3A_306 = arith.index_cast %add3A_305 : i32 to index
            %swap3A_307 = tpu.vector_load %arg9[%swap3A_306] {strides = array<i32>} : memref<32768xi32, #tpu.memory_space<vmem>>, vector<16xi32>,
            tpu.vector_store %arg9[%swap3A_306], %add3A_302 {strides = array<i32>} : memref<32768xi32, #tpu.memory_space<vmem>>, vector<16xi32>,
            %add3A_308 = arith.constant 128 : i32
            %add3A_309 = vector.broadcast %add3A_308 : i32 to vector<16xi32>
            %add3A_310 = arith.addi %add3A_302, %add3A_309 : vector<16xi32>
            %add3A_311 = arith.constant 8192 : i32
            %add3A_312 = arith.addi %mul3A_44, %add3A_311 : i32
            %add3A_313 = arith.addi %add3A_312, %add3A_304 : i32
            %swap3A_314 = arith.index_cast %add3A_313 : i32 to index
            %swap3A_315 = tpu.vector_load %arg9[%swap3A_314] {strides = array<i32>} : memref<32768xi32, #tpu.memory_space<vmem>>, vector<16xi32>,
            tpu.vector_store %arg9[%swap3A_314], %add3A_310 {strides = array<i32>} : memref<32768xi32, #tpu.memory_space<vmem>>, vector<16xi32>,
            %xor3A_316 = arith.xori %add3A_126, %add3A_129 : vector<16xi32>
            %xor3A_317 = arith.xori %xor3A_316, %mul3A_123 : vector<16xi32>
            %and3A_318 = arith.constant 524287 : i32
            %and3A_319 = vector.broadcast %and3A_318 : i32 to vector<16xi32>
            %and3A_320 = arith.andi %xor3A_317, %and3A_319 : vector<16xi32>
            %shift_right_arithmetic3A_321 = arith.constant 7 : i32
            %shift_right_arithmetic3A_322 = vector.broadcast %shift_right_arithmetic3A_321 : i32 to vector<16xi32>
            %shift_right_arithmetic3A_323 = arith.shrsi %and3A_320, %shift_right_arithmetic3A_322 : vector<16xi32>
            %shift_left3A_324 = arith.constant 8 : i32
            %shift_left3A_325 = vector.broadcast %shift_left3A_324 : i32 to vector<16xi32>
            %shift_left3A_326 = arith.shli %shift_right_arithmetic3A_323, %shift_left3A_325 : vector<16xi32>
            %add3A_327 = arith.constant 1048576 : i32
            %add3A_328 = vector.broadcast %add3A_327 : i32 to vector<16xi32>
            %add3A_329 = arith.addi %add3A_328, %shift_left3A_326 : vector<16xi32>
            %and3A_330 = arith.constant 127 : i32
            %and3A_331 = vector.broadcast %and3A_330 : i32 to vector<16xi32>
            %and3A_332 = arith.andi %and3A_320, %and3A_331 : vector<16xi32>
            %add3A_333 = arith.addi %add3A_329, %and3A_332 : vector<16xi32>
            %add3A_334 = arith.constant 6144 : i32
            %add3A_335 = arith.addi %add3A_334, %mul3A_79 : i32
            %add3A_336 = arith.addi %mul3A_44, %add3A_335 : i32
            %swap3A_337 = arith.index_cast %add3A_336 : i32 to index
            %swap3A_338 = tpu.vector_load %arg9[%swap3A_337] {strides = array<i32>} : memref<32768xi32, #tpu.memory_space<vmem>>, vector<16xi32>,
            tpu.vector_store %arg9[%swap3A_337], %add3A_333 {strides = array<i32>} : memref<32768xi32, #tpu.memory_space<vmem>>, vector<16xi32>,
            %add3A_339 = arith.constant 128 : i32
            %add3A_340 = vector.broadcast %add3A_339 : i32 to vector<16xi32>
            %add3A_341 = arith.addi %add3A_333, %add3A_340 : vector<16xi32>
            %add3A_342 = arith.constant 8192 : i32
            %add3A_343 = arith.addi %mul3A_44, %add3A_342 : i32
            %add3A_344 = arith.addi %add3A_343, %add3A_335 : i32
            %swap3A_345 = arith.index_cast %add3A_344 : i32 to index
            %swap3A_346 = tpu.vector_load %arg9[%swap3A_345] {strides = array<i32>} : memref<32768xi32, #tpu.memory_space<vmem>>, vector<16xi32>,
            tpu.vector_store %arg9[%swap3A_345], %add3A_341 {strides = array<i32>} : memref<32768xi32, #tpu.memory_space<vmem>>, vector<16xi32>,
            %xor3A_347 = arith.xori %add3A_126, %add3A_129 : vector<16xi32>
            %xor3A_348 = arith.xori %xor3A_347, %add3A_132 : vector<16xi32>
            %and3A_349 = arith.constant 524287 : i32
            %and3A_350 = vector.broadcast %and3A_349 : i32 to vector<16xi32>
            %and3A_351 = arith.andi %xor3A_348, %and3A_350 : vector<16xi32>
            %shift_right_arithmetic3A_352 = arith.constant 7 : i32
            %shift_right_arithmetic3A_353 = vector.broadcast %shift_right_arithmetic3A_352 : i32 to vector<16xi32>
            %shift_right_arithmetic3A_354 = arith.shrsi %and3A_351, %shift_right_arithmetic3A_353 : vector<16xi32>
            %shift_left3A_355 = arith.constant 8 : i32
            %shift_left3A_356 = vector.broadcast %shift_left3A_355 : i32 to vector<16xi32>
            %shift_left3A_357 = arith.shli %shift_right_arithmetic3A_354, %shift_left3A_356 : vector<16xi32>
            %add3A_358 = arith.constant 1048576 : i32
            %add3A_359 = vector.broadcast %add3A_358 : i32 to vector<16xi32>
            %add3A_360 = arith.addi %add3A_359, %shift_left3A_357 : vector<16xi32>
            %and3A_361 = arith.constant 127 : i32
            %and3A_362 = vector.broadcast %and3A_361 : i32 to vector<16xi32>
            %and3A_363 = arith.andi %and3A_351, %and3A_362 : vector<16xi32>
            %add3A_364 = arith.addi %add3A_360, %and3A_363 : vector<16xi32>
            %add3A_365 = arith.constant 7168 : i32
            %add3A_366 = arith.addi %add3A_365, %mul3A_79 : i32
            %add3A_367 = arith.addi %mul3A_44, %add3A_366 : i32
            %swap3A_368 = arith.index_cast %add3A_367 : i32 to index
            %swap3A_369 = tpu.vector_load %arg9[%swap3A_368] {strides = array<i32>} : memref<32768xi32, #tpu.memory_space<vmem>>, vector<16xi32>,
            tpu.vector_store %arg9[%swap3A_368], %add3A_364 {strides = array<i32>} : memref<32768xi32, #tpu.memory_space<vmem>>, vector<16xi32>,
            %add3A_370 = arith.constant 128 : i32
            %add3A_371 = vector.broadcast %add3A_370 : i32 to vector<16xi32>
            %add3A_372 = arith.addi %add3A_364, %add3A_371 : vector<16xi32>
            %add3A_373 = arith.constant 8192 : i32
            %add3A_374 = arith.addi %mul3A_44, %add3A_373 : i32
            %add3A_375 = arith.addi %add3A_374, %add3A_366 : i32
            %swap3A_376 = arith.index_cast %add3A_375 : i32 to index
            %swap3A_377 = tpu.vector_load %arg9[%swap3A_376] {strides = array<i32>} : memref<32768xi32, #tpu.memory_space<vmem>>, vector<16xi32>,
            tpu.vector_store %arg9[%swap3A_376], %add3A_372 {strides = array<i32>} : memref<32768xi32, #tpu.memory_space<vmem>>, vector<16xi32>,
          }
          %scan3A_76 = arith.constant 64 : i32
        } else {
        }
        %gt3A = arith.constant 0 : i32
        %gt3A_56 = arith.cmpi sgt, %scan3A_30, %gt3A : i32
        %lt3A = arith.constant 15 : i32
        %lt3A_57 = arith.cmpi slt, %scan3A_30, %lt3A : i32
        %and3A_58 = arith.andi %gt3A_56, %lt3A_57 : i1
        %convert_element_type3A_59 = arith.extui %and3A_58 : i1 to i32
        %cond3A_60 = arith.constant 0 : i32
        %cond3A_61 = arith.cmpi ne, %convert_element_type3A_59, %cond3A_60 : i32
        scf.if %cond3A_61 {
          %add3A_70 = arith.constant 1 : i32
          %add3A_71 = arith.addi %scan3A_30, %add3A_70 : i32
          %mul3A_72 = arith.constant 16 : i32
          %mul3A_73 = arith.muli %add3A_71, %mul3A_72 : i32
          %get3A_74 = arith.index_cast %mul3A_73 : i32 to index
          %get3A_75 = tpu.vector_load %arg8[%get3A_74] {strides = array<i32>} : memref<256xf32, #tpu.memory_space<vmem>>, vector<16xf32>,
          %add3A_76 = arith.constant 1 : i32
          %add3A_77 = arith.addi %scan3A_30, %add3A_76 : i32
          %mul3A_78 = arith.constant 1048576 : i32
          %mul3A_79 = arith.muli %add3A_77, %mul3A_78 : i32
          %sub3A_80 = arith.constant 1 : i32
          %sub3A_81 = arith.subi %scan3A_30, %sub3A_80 : i32
          %mul3A_82 = arith.constant 2 : i32
          %mul3A_83 = arith.muli %mul3A_82, %sub3A_81 : i32
          %broadcast_in_dim3A_84 = vector.broadcast %mul3A_83 : i32 to vector<16xi32>
          %scan3A_85 = arith.constant 0 : i32
          %scan3A_86 = arith.constant 64 : i32
          %scan3A_87 = arith.addi %scan3A_85, %scan3A_86 : i32
          %scan3A_88 = arith.constant 1 : i32
          scf.for %scan3A_90 = %scan3A_85 to %scan3A_87 step %scan3A_88  : i32 {
            %mul3A_91 = arith.constant 16 : i32
            %mul3A_92 = arith.muli %scan3A_90, %mul3A_91 : i32
            %add3A_93 = arith.addi %mul3A_50, %mul3A_92 : i32
            %get3A_94 = arith.index_cast %add3A_93 : i32 to index
            %get3A_95 = tpu.vector_load %arg7[%get3A_94] {strides = array<i32>} : memref<6144xf32, #tpu.memory_space<vmem>>, vector<16xf32>,
            %add3A_96 = arith.constant 1024 : i32
            %add3A_97 = arith.addi %mul3A_50, %add3A_96 : i32
            %add3A_98 = arith.addi %add3A_97, %mul3A_92 : i32
            %get3A_99 = arith.index_cast %add3A_98 : i32 to index
            %get3A_100 = tpu.vector_load %arg7[%get3A_99] {strides = array<i32>} : memref<6144xf32, #tpu.memory_space<vmem>>, vector<16xf32>,
            %add3A_101 = arith.constant 2048 : i32
            %add3A_102 = arith.addi %mul3A_50, %add3A_101 : i32
            %add3A_103 = arith.addi %add3A_102, %mul3A_92 : i32
            %get3A_104 = arith.index_cast %add3A_103 : i32 to index
            %get3A_105 = tpu.vector_load %arg7[%get3A_104] {strides = array<i32>} : memref<6144xf32, #tpu.memory_space<vmem>>, vector<16xf32>,
            %sub3A_106 = arith.constant 1.000000e+00 : f32
            %sub3A_107 = vector.broadcast %sub3A_106 : f32 to vector<16xf32>
            %sub3A_108 = arith.subf %sub3A_107, %get3A_95 : vector<16xf32>
            %sub3A_109 = arith.constant 1.000000e+00 : f32
            %sub3A_110 = vector.broadcast %sub3A_109 : f32 to vector<16xf32>
            %sub3A_111 = arith.subf %sub3A_110, %get3A_100 : vector<16xf32>
            %sub3A_112 = arith.constant 1.000000e+00 : f32
            %sub3A_113 = vector.broadcast %sub3A_112 : f32 to vector<16xf32>
            %sub3A_114 = arith.subf %sub3A_113, %get3A_105 : vector<16xf32>
            %mul3A_115 = arith.mulf %sub3A_108, %sub3A_111 : vector<16xf32>
            %mul3A_116 = arith.mulf %sub3A_108, %get3A_100 : vector<16xf32>
            %mul3A_117 = arith.mulf %get3A_95, %sub3A_111 : vector<16xf32>
            %mul3A_118 = arith.mulf %get3A_95, %get3A_100 : vector<16xf32>
            %broadcast_in_dim3A_119 = arith.constant 0.000000e+00 : f32
            %broadcast_in_dim3A_120 = vector.broadcast %broadcast_in_dim3A_119 : f32 to vector<16xf32>
            %broadcast_in_dim3A_121 = arith.constant 0.000000e+00 : f32
            %broadcast_in_dim3A_122 = vector.broadcast %broadcast_in_dim3A_121 : f32 to vector<16xf32>
            %mul3A_123 = arith.mulf %mul3A_115, %sub3A_114 : vector<16xf32>
            %add3A_124 = arith.constant 0 : i32
            %add3A_125 = arith.addi %add3A_124, %mul3A_92 : i32
            %add3A_126 = arith.addi %mul3A_44, %add3A_125 : i32
            %get3A_127 = arith.index_cast %add3A_126 : i32 to index
            %get3A_128 = tpu.vector_load %arg10[%get3A_127] {strides = array<i32>} : memref<32768xf32, #tpu.memory_space<vmem>>, vector<16xf32>,
            %mul3A_129 = arith.mulf %mul3A_123, %get3A_128 : vector<16xf32>
            %add3A_130 = arith.addf %broadcast_in_dim3A_120, %mul3A_129 : vector<16xf32>
            %add3A_131 = arith.constant 8192 : i32
            %add3A_132 = arith.addi %mul3A_44, %add3A_131 : i32
            %add3A_133 = arith.addi %add3A_132, %add3A_125 : i32
            %get3A_134 = arith.index_cast %add3A_133 : i32 to index
            %get3A_135 = tpu.vector_load %arg10[%get3A_134] {strides = array<i32>} : memref<32768xf32, #tpu.memory_space<vmem>>, vector<16xf32>,
            %mul3A_136 = arith.mulf %mul3A_123, %get3A_135 : vector<16xf32>
            %add3A_137 = arith.addf %broadcast_in_dim3A_122, %mul3A_136 : vector<16xf32>
            %mul3A_138 = arith.mulf %mul3A_115, %get3A_105 : vector<16xf32>
            %add3A_139 = arith.constant 1024 : i32
            %add3A_140 = arith.addi %add3A_139, %mul3A_92 : i32
            %add3A_141 = arith.addi %mul3A_44, %add3A_140 : i32
            %get3A_142 = arith.index_cast %add3A_141 : i32 to index
            %get3A_143 = tpu.vector_load %arg10[%get3A_142] {strides = array<i32>} : memref<32768xf32, #tpu.memory_space<vmem>>, vector<16xf32>,
            %mul3A_144 = arith.mulf %mul3A_138, %get3A_143 : vector<16xf32>
            %add3A_145 = arith.addf %add3A_130, %mul3A_144 : vector<16xf32>
            %add3A_146 = arith.constant 8192 : i32
            %add3A_147 = arith.addi %mul3A_44, %add3A_146 : i32
            %add3A_148 = arith.addi %add3A_147, %add3A_140 : i32
            %get3A_149 = arith.index_cast %add3A_148 : i32 to index
            %get3A_150 = tpu.vector_load %arg10[%get3A_149] {strides = array<i32>} : memref<32768xf32, #tpu.memory_space<vmem>>, vector<16xf32>,
            %mul3A_151 = arith.mulf %mul3A_138, %get3A_150 : vector<16xf32>
            %add3A_152 = arith.addf %add3A_137, %mul3A_151 : vector<16xf32>
            %mul3A_153 = arith.mulf %mul3A_116, %sub3A_114 : vector<16xf32>
            %add3A_154 = arith.constant 2048 : i32
            %add3A_155 = arith.addi %add3A_154, %mul3A_92 : i32
            %add3A_156 = arith.addi %mul3A_44, %add3A_155 : i32
            %get3A_157 = arith.index_cast %add3A_156 : i32 to index
            %get3A_158 = tpu.vector_load %arg10[%get3A_157] {strides = array<i32>} : memref<32768xf32, #tpu.memory_space<vmem>>, vector<16xf32>,
            %mul3A_159 = arith.mulf %mul3A_153, %get3A_158 : vector<16xf32>
            %add3A_160 = arith.addf %add3A_145, %mul3A_159 : vector<16xf32>
            %add3A_161 = arith.constant 8192 : i32
            %add3A_162 = arith.addi %mul3A_44, %add3A_161 : i32
            %add3A_163 = arith.addi %add3A_162, %add3A_155 : i32
            %get3A_164 = arith.index_cast %add3A_163 : i32 to index
            %get3A_165 = tpu.vector_load %arg10[%get3A_164] {strides = array<i32>} : memref<32768xf32, #tpu.memory_space<vmem>>, vector<16xf32>,
            %mul3A_166 = arith.mulf %mul3A_153, %get3A_165 : vector<16xf32>
            %add3A_167 = arith.addf %add3A_152, %mul3A_166 : vector<16xf32>
            %mul3A_168 = arith.mulf %mul3A_116, %get3A_105 : vector<16xf32>
            %add3A_169 = arith.constant 3072 : i32
            %add3A_170 = arith.addi %add3A_169, %mul3A_92 : i32
            %add3A_171 = arith.addi %mul3A_44, %add3A_170 : i32
            %get3A_172 = arith.index_cast %add3A_171 : i32 to index
            %get3A_173 = tpu.vector_load %arg10[%get3A_172] {strides = array<i32>} : memref<32768xf32, #tpu.memory_space<vmem>>, vector<16xf32>,
            %mul3A_174 = arith.mulf %mul3A_168, %get3A_173 : vector<16xf32>
            %add3A_175 = arith.addf %add3A_160, %mul3A_174 : vector<16xf32>
            %add3A_176 = arith.constant 8192 : i32
            %add3A_177 = arith.addi %mul3A_44, %add3A_176 : i32
            %add3A_178 = arith.addi %add3A_177, %add3A_170 : i32
            %get3A_179 = arith.index_cast %add3A_178 : i32 to index
            %get3A_180 = tpu.vector_load %arg10[%get3A_179] {strides = array<i32>} : memref<32768xf32, #tpu.memory_space<vmem>>, vector<16xf32>,
            %mul3A_181 = arith.mulf %mul3A_168, %get3A_180 : vector<16xf32>
            %add3A_182 = arith.addf %add3A_167, %mul3A_181 : vector<16xf32>
            %mul3A_183 = arith.mulf %mul3A_117, %sub3A_114 : vector<16xf32>
            %add3A_184 = arith.constant 4096 : i32
            %add3A_185 = arith.addi %add3A_184, %mul3A_92 : i32
            %add3A_186 = arith.addi %mul3A_44, %add3A_185 : i32
            %get3A_187 = arith.index_cast %add3A_186 : i32 to index
            %get3A_188 = tpu.vector_load %arg10[%get3A_187] {strides = array<i32>} : memref<32768xf32, #tpu.memory_space<vmem>>, vector<16xf32>,
            %mul3A_189 = arith.mulf %mul3A_183, %get3A_188 : vector<16xf32>
            %add3A_190 = arith.addf %add3A_175, %mul3A_189 : vector<16xf32>
            %add3A_191 = arith.constant 8192 : i32
            %add3A_192 = arith.addi %mul3A_44, %add3A_191 : i32
            %add3A_193 = arith.addi %add3A_192, %add3A_185 : i32
            %get3A_194 = arith.index_cast %add3A_193 : i32 to index
            %get3A_195 = tpu.vector_load %arg10[%get3A_194] {strides = array<i32>} : memref<32768xf32, #tpu.memory_space<vmem>>, vector<16xf32>,
            %mul3A_196 = arith.mulf %mul3A_183, %get3A_195 : vector<16xf32>
            %add3A_197 = arith.addf %add3A_182, %mul3A_196 : vector<16xf32>
            %mul3A_198 = arith.mulf %mul3A_117, %get3A_105 : vector<16xf32>
            %add3A_199 = arith.constant 5120 : i32
            %add3A_200 = arith.addi %add3A_199, %mul3A_92 : i32
            %add3A_201 = arith.addi %mul3A_44, %add3A_200 : i32
            %get3A_202 = arith.index_cast %add3A_201 : i32 to index
            %get3A_203 = tpu.vector_load %arg10[%get3A_202] {strides = array<i32>} : memref<32768xf32, #tpu.memory_space<vmem>>, vector<16xf32>,
            %mul3A_204 = arith.mulf %mul3A_198, %get3A_203 : vector<16xf32>
            %add3A_205 = arith.addf %add3A_190, %mul3A_204 : vector<16xf32>
            %add3A_206 = arith.constant 8192 : i32
            %add3A_207 = arith.addi %mul3A_44, %add3A_206 : i32
            %add3A_208 = arith.addi %add3A_207, %add3A_200 : i32
            %get3A_209 = arith.index_cast %add3A_208 : i32 to index
            %get3A_210 = tpu.vector_load %arg10[%get3A_209] {strides = array<i32>} : memref<32768xf32, #tpu.memory_space<vmem>>, vector<16xf32>,
            %mul3A_211 = arith.mulf %mul3A_198, %get3A_210 : vector<16xf32>
            %add3A_212 = arith.addf %add3A_197, %mul3A_211 : vector<16xf32>
            %mul3A_213 = arith.mulf %mul3A_118, %sub3A_114 : vector<16xf32>
            %add3A_214 = arith.constant 6144 : i32
            %add3A_215 = arith.addi %add3A_214, %mul3A_92 : i32
            %add3A_216 = arith.addi %mul3A_44, %add3A_215 : i32
            %get3A_217 = arith.index_cast %add3A_216 : i32 to index
            %get3A_218 = tpu.vector_load %arg10[%get3A_217] {strides = array<i32>} : memref<32768xf32, #tpu.memory_space<vmem>>, vector<16xf32>,
            %mul3A_219 = arith.mulf %mul3A_213, %get3A_218 : vector<16xf32>
            %add3A_220 = arith.addf %add3A_205, %mul3A_219 : vector<16xf32>
            %add3A_221 = arith.constant 8192 : i32
            %add3A_222 = arith.addi %mul3A_44, %add3A_221 : i32
            %add3A_223 = arith.addi %add3A_222, %add3A_215 : i32
            %get3A_224 = arith.index_cast %add3A_223 : i32 to index
            %get3A_225 = tpu.vector_load %arg10[%get3A_224] {strides = array<i32>} : memref<32768xf32, #tpu.memory_space<vmem>>, vector<16xf32>,
            %mul3A_226 = arith.mulf %mul3A_213, %get3A_225 : vector<16xf32>
            %add3A_227 = arith.addf %add3A_212, %mul3A_226 : vector<16xf32>
            %mul3A_228 = arith.mulf %mul3A_118, %get3A_105 : vector<16xf32>
            %add3A_229 = arith.constant 7168 : i32
            %add3A_230 = arith.addi %add3A_229, %mul3A_92 : i32
            %add3A_231 = arith.addi %mul3A_44, %add3A_230 : i32
            %get3A_232 = arith.index_cast %add3A_231 : i32 to index
            %get3A_233 = tpu.vector_load %arg10[%get3A_232] {strides = array<i32>} : memref<32768xf32, #tpu.memory_space<vmem>>, vector<16xf32>,
            %mul3A_234 = arith.mulf %mul3A_228, %get3A_233 : vector<16xf32>
            %add3A_235 = arith.addf %add3A_220, %mul3A_234 : vector<16xf32>
            %add3A_236 = arith.constant 8192 : i32
            %add3A_237 = arith.addi %mul3A_44, %add3A_236 : i32
            %add3A_238 = arith.addi %add3A_237, %add3A_230 : i32
            %get3A_239 = arith.index_cast %add3A_238 : i32 to index
            %get3A_240 = tpu.vector_load %arg10[%get3A_239] {strides = array<i32>} : memref<32768xf32, #tpu.memory_space<vmem>>, vector<16xf32>,
            %mul3A_241 = arith.mulf %mul3A_228, %get3A_240 : vector<16xf32>
            %add3A_242 = arith.addf %add3A_227, %mul3A_241 : vector<16xf32>
            %add3A_243 = vector.broadcast %mul3A_92 : i32 to vector<16xi32>
            %add3A_244 = arith.addi %add3A_243, %iota3A : vector<16xi32>
            tpu.vector_store_idx %arg11[%add3A_244, %broadcast_in_dim3A_84], %add3A_235 : memref<1024x32xf32, #tpu.memory_space<vmem>>[vector<16xi32>, vector<16xi32>], vector<16xf32>,
            %add3A_245 = arith.constant 1 : i32
            %add3A_246 = vector.broadcast %add3A_245 : i32 to vector<16xi32>
            %add3A_247 = arith.addi %broadcast_in_dim3A_84, %add3A_246 : vector<16xi32>
            tpu.vector_store_idx %arg11[%add3A_244, %add3A_247], %add3A_242 : memref<1024x32xf32, #tpu.memory_space<vmem>>[vector<16xi32>, vector<16xi32>], vector<16xf32>,
            %mul3A_248 = arith.constant 16 : i32
            %mul3A_249 = arith.muli %scan3A_90, %mul3A_248 : i32
            %add3A_250 = arith.addi %mul3A_11, %mul3A_249 : i32
            %add3A_251 = vector.broadcast %add3A_250 : i32 to vector<16xi32>
            %add3A_252 = arith.addi %add3A_251, %iota3A : vector<16xi32>
            %mul3A_253 = arith.constant 3 : i32
            %mul3A_254 = vector.broadcast %mul3A_253 : i32 to vector<16xi32>
            %mul3A_255 = arith.muli %add3A_252, %mul3A_254 : vector<16xi32>
            %gather3A = tpu.vector_load_idx %arg6[%mul3A_255] : memref<6144xf32, #tpu.memory_space<vmem>>[vector<16xi32>], vector<16xf32>,
            %mul3A_256 = arith.mulf %gather3A, %get3A_75 : vector<16xf32>
            %add3A_257 = arith.constant 1 : i32
            %add3A_258 = vector.broadcast %add3A_257 : i32 to vector<16xi32>
            %add3A_259 = arith.addi %mul3A_255, %add3A_258 : vector<16xi32>
            %gather3A_260 = tpu.vector_load_idx %arg6[%add3A_259] : memref<6144xf32, #tpu.memory_space<vmem>>[vector<16xi32>], vector<16xf32>,
            %mul3A_261 = arith.mulf %gather3A_260, %get3A_75 : vector<16xf32>
            %add3A_262 = arith.constant 2 : i32
            %add3A_263 = vector.broadcast %add3A_262 : i32 to vector<16xi32>
            %add3A_264 = arith.addi %mul3A_255, %add3A_263 : vector<16xi32>
            %gather3A_265 = tpu.vector_load_idx %arg6[%add3A_264] : memref<6144xf32, #tpu.memory_space<vmem>>[vector<16xi32>], vector<16xf32>,
            %mul3A_266 = arith.mulf %gather3A_265, %get3A_75 : vector<16xf32>
            %convert_element_type3A_267 = arith.fptosi %mul3A_256 : vector<16xf32> to vector<16xi32>
            %convert_element_type3A_268 = arith.fptosi %mul3A_261 : vector<16xf32> to vector<16xi32>
            %convert_element_type3A_269 = arith.fptosi %mul3A_266 : vector<16xf32> to vector<16xi32>
            %convert_element_type3A_270 = arith.sitofp %convert_element_type3A_267 : vector<16xi32> to vector<16xf32>
            %sub3A_271 = arith.subf %mul3A_256, %convert_element_type3A_270 : vector<16xf32>
            %add3A_272 = arith.addi %mul3A_50, %mul3A_249 : i32
            %swap3A = arith.index_cast %add3A_272 : i32 to index
            %swap3A_273 = tpu.vector_load %arg7[%swap3A] {strides = array<i32>} : memref<6144xf32, #tpu.memory_space<vmem>>, vector<16xf32>,
            tpu.vector_store %arg7[%swap3A], %sub3A_271 {strides = array<i32>} : memref<6144xf32, #tpu.memory_space<vmem>>, vector<16xf32>,
            %convert_element_type3A_274 = arith.sitofp %convert_element_type3A_268 : vector<16xi32> to vector<16xf32>
            %sub3A_275 = arith.subf %mul3A_261, %convert_element_type3A_274 : vector<16xf32>
            %add3A_276 = arith.constant 1024 : i32
            %add3A_277 = arith.addi %mul3A_50, %add3A_276 : i32
            %add3A_278 = arith.addi %add3A_277, %mul3A_249 : i32
            %swap3A_279 = arith.index_cast %add3A_278 : i32 to index
            %swap3A_280 = tpu.vector_load %arg7[%swap3A_279] {strides = array<i32>} : memref<6144xf32, #tpu.memory_space<vmem>>, vector<16xf32>,
            tpu.vector_store %arg7[%swap3A_279], %sub3A_275 {strides = array<i32>} : memref<6144xf32, #tpu.memory_space<vmem>>, vector<16xf32>,
            %convert_element_type3A_281 = arith.sitofp %convert_element_type3A_269 : vector<16xi32> to vector<16xf32>
            %sub3A_282 = arith.subf %mul3A_266, %convert_element_type3A_281 : vector<16xf32>
            %add3A_283 = arith.constant 2048 : i32
            %add3A_284 = arith.addi %mul3A_50, %add3A_283 : i32
            %add3A_285 = arith.addi %add3A_284, %mul3A_249 : i32
            %swap3A_286 = arith.index_cast %add3A_285 : i32 to index
            %swap3A_287 = tpu.vector_load %arg7[%swap3A_286] {strides = array<i32>} : memref<6144xf32, #tpu.memory_space<vmem>>, vector<16xf32>,
            tpu.vector_store %arg7[%swap3A_286], %sub3A_282 {strides = array<i32>} : memref<6144xf32, #tpu.memory_space<vmem>>, vector<16xf32>,
            %mul3A_288 = arith.constant -1640531535 : i32
            %mul3A_289 = vector.broadcast %mul3A_288 : i32 to vector<16xi32>
            %mul3A_290 = arith.muli %convert_element_type3A_268, %mul3A_289 : vector<16xi32>
            %mul3A_291 = arith.constant 805459861 : i32
            %mul3A_292 = vector.broadcast %mul3A_291 : i32 to vector<16xi32>
            %mul3A_293 = arith.muli %convert_element_type3A_269, %mul3A_292 : vector<16xi32>
            %add3A_294 = arith.constant 1 : i32
            %add3A_295 = vector.broadcast %add3A_294 : i32 to vector<16xi32>
            %add3A_296 = arith.addi %convert_element_type3A_267, %add3A_295 : vector<16xi32>
            %add3A_297 = arith.constant -1640531535 : i32
            %add3A_298 = vector.broadcast %add3A_297 : i32 to vector<16xi32>
            %add3A_299 = arith.addi %mul3A_290, %add3A_298 : vector<16xi32>
            %add3A_300 = arith.constant 805459861 : i32
            %add3A_301 = vector.broadcast %add3A_300 : i32 to vector<16xi32>
            %add3A_302 = arith.addi %mul3A_293, %add3A_301 : vector<16xi32>
            %xor3A = arith.xori %convert_element_type3A_267, %mul3A_290 : vector<16xi32>
            %xor3A_303 = arith.xori %xor3A, %mul3A_293 : vector<16xi32>
            %and3A_304 = arith.constant 524287 : i32
            %and3A_305 = vector.broadcast %and3A_304 : i32 to vector<16xi32>
            %and3A_306 = arith.andi %xor3A_303, %and3A_305 : vector<16xi32>
            %shift_right_arithmetic3A = arith.constant 7 : i32
            %shift_right_arithmetic3A_307 = vector.broadcast %shift_right_arithmetic3A : i32 to vector<16xi32>
            %shift_right_arithmetic3A_308 = arith.shrsi %and3A_306, %shift_right_arithmetic3A_307 : vector<16xi32>
            %shift_left3A = arith.constant 8 : i32
            %shift_left3A_309 = vector.broadcast %shift_left3A : i32 to vector<16xi32>
            %shift_left3A_310 = arith.shli %shift_right_arithmetic3A_308, %shift_left3A_309 : vector<16xi32>
            %add3A_311 = vector.broadcast %mul3A_79 : i32 to vector<16xi32>
            %add3A_312 = arith.addi %add3A_311, %shift_left3A_310 : vector<16xi32>
            %and3A_313 = arith.constant 127 : i32
            %and3A_314 = vector.broadcast %and3A_313 : i32 to vector<16xi32>
            %and3A_315 = arith.andi %and3A_306, %and3A_314 : vector<16xi32>
            %add3A_316 = arith.addi %add3A_312, %and3A_315 : vector<16xi32>
            %add3A_317 = arith.constant 0 : i32
            %add3A_318 = arith.addi %add3A_317, %mul3A_249 : i32
            %add3A_319 = arith.addi %mul3A_44, %add3A_318 : i32
            %swap3A_320 = arith.index_cast %add3A_319 : i32 to index
            %swap3A_321 = tpu.vector_load %arg9[%swap3A_320] {strides = array<i32>} : memref<32768xi32, #tpu.memory_space<vmem>>, vector<16xi32>,
            tpu.vector_store %arg9[%swap3A_320], %add3A_316 {strides = array<i32>} : memref<32768xi32, #tpu.memory_space<vmem>>, vector<16xi32>,
            %add3A_322 = arith.constant 128 : i32
            %add3A_323 = vector.broadcast %add3A_322 : i32 to vector<16xi32>
            %add3A_324 = arith.addi %add3A_316, %add3A_323 : vector<16xi32>
            %add3A_325 = arith.constant 8192 : i32
            %add3A_326 = arith.addi %mul3A_44, %add3A_325 : i32
            %add3A_327 = arith.addi %add3A_326, %add3A_318 : i32
            %swap3A_328 = arith.index_cast %add3A_327 : i32 to index
            %swap3A_329 = tpu.vector_load %arg9[%swap3A_328] {strides = array<i32>} : memref<32768xi32, #tpu.memory_space<vmem>>, vector<16xi32>,
            tpu.vector_store %arg9[%swap3A_328], %add3A_324 {strides = array<i32>} : memref<32768xi32, #tpu.memory_space<vmem>>, vector<16xi32>,
            %xor3A_330 = arith.xori %convert_element_type3A_267, %mul3A_290 : vector<16xi32>
            %xor3A_331 = arith.xori %xor3A_330, %add3A_302 : vector<16xi32>
            %and3A_332 = arith.constant 524287 : i32
            %and3A_333 = vector.broadcast %and3A_332 : i32 to vector<16xi32>
            %and3A_334 = arith.andi %xor3A_331, %and3A_333 : vector<16xi32>
            %shift_right_arithmetic3A_335 = arith.constant 7 : i32
            %shift_right_arithmetic3A_336 = vector.broadcast %shift_right_arithmetic3A_335 : i32 to vector<16xi32>
            %shift_right_arithmetic3A_337 = arith.shrsi %and3A_334, %shift_right_arithmetic3A_336 : vector<16xi32>
            %shift_left3A_338 = arith.constant 8 : i32
            %shift_left3A_339 = vector.broadcast %shift_left3A_338 : i32 to vector<16xi32>
            %shift_left3A_340 = arith.shli %shift_right_arithmetic3A_337, %shift_left3A_339 : vector<16xi32>
            %add3A_341 = vector.broadcast %mul3A_79 : i32 to vector<16xi32>
            %add3A_342 = arith.addi %add3A_341, %shift_left3A_340 : vector<16xi32>
            %and3A_343 = arith.constant 127 : i32
            %and3A_344 = vector.broadcast %and3A_343 : i32 to vector<16xi32>
            %and3A_345 = arith.andi %and3A_334, %and3A_344 : vector<16xi32>
            %add3A_346 = arith.addi %add3A_342, %and3A_345 : vector<16xi32>
            %add3A_347 = arith.constant 1024 : i32
            %add3A_348 = arith.addi %add3A_347, %mul3A_249 : i32
            %add3A_349 = arith.addi %mul3A_44, %add3A_348 : i32
            %swap3A_350 = arith.index_cast %add3A_349 : i32 to index
            %swap3A_351 = tpu.vector_load %arg9[%swap3A_350] {strides = array<i32>} : memref<32768xi32, #tpu.memory_space<vmem>>, vector<16xi32>,
            tpu.vector_store %arg9[%swap3A_350], %add3A_346 {strides = array<i32>} : memref<32768xi32, #tpu.memory_space<vmem>>, vector<16xi32>,
            %add3A_352 = arith.constant 128 : i32
            %add3A_353 = vector.broadcast %add3A_352 : i32 to vector<16xi32>
            %add3A_354 = arith.addi %add3A_346, %add3A_353 : vector<16xi32>
            %add3A_355 = arith.constant 8192 : i32
            %add3A_356 = arith.addi %mul3A_44, %add3A_355 : i32
            %add3A_357 = arith.addi %add3A_356, %add3A_348 : i32
            %swap3A_358 = arith.index_cast %add3A_357 : i32 to index
            %swap3A_359 = tpu.vector_load %arg9[%swap3A_358] {strides = array<i32>} : memref<32768xi32, #tpu.memory_space<vmem>>, vector<16xi32>,
            tpu.vector_store %arg9[%swap3A_358], %add3A_354 {strides = array<i32>} : memref<32768xi32, #tpu.memory_space<vmem>>, vector<16xi32>,
            %xor3A_360 = arith.xori %convert_element_type3A_267, %add3A_299 : vector<16xi32>
            %xor3A_361 = arith.xori %xor3A_360, %mul3A_293 : vector<16xi32>
            %and3A_362 = arith.constant 524287 : i32
            %and3A_363 = vector.broadcast %and3A_362 : i32 to vector<16xi32>
            %and3A_364 = arith.andi %xor3A_361, %and3A_363 : vector<16xi32>
            %shift_right_arithmetic3A_365 = arith.constant 7 : i32
            %shift_right_arithmetic3A_366 = vector.broadcast %shift_right_arithmetic3A_365 : i32 to vector<16xi32>
            %shift_right_arithmetic3A_367 = arith.shrsi %and3A_364, %shift_right_arithmetic3A_366 : vector<16xi32>
            %shift_left3A_368 = arith.constant 8 : i32
            %shift_left3A_369 = vector.broadcast %shift_left3A_368 : i32 to vector<16xi32>
            %shift_left3A_370 = arith.shli %shift_right_arithmetic3A_367, %shift_left3A_369 : vector<16xi32>
            %add3A_371 = vector.broadcast %mul3A_79 : i32 to vector<16xi32>
            %add3A_372 = arith.addi %add3A_371, %shift_left3A_370 : vector<16xi32>
            %and3A_373 = arith.constant 127 : i32
            %and3A_374 = vector.broadcast %and3A_373 : i32 to vector<16xi32>
            %and3A_375 = arith.andi %and3A_364, %and3A_374 : vector<16xi32>
            %add3A_376 = arith.addi %add3A_372, %and3A_375 : vector<16xi32>
            %add3A_377 = arith.constant 2048 : i32
            %add3A_378 = arith.addi %add3A_377, %mul3A_249 : i32
            %add3A_379 = arith.addi %mul3A_44, %add3A_378 : i32
            %swap3A_380 = arith.index_cast %add3A_379 : i32 to index
            %swap3A_381 = tpu.vector_load %arg9[%swap3A_380] {strides = array<i32>} : memref<32768xi32, #tpu.memory_space<vmem>>, vector<16xi32>,
            tpu.vector_store %arg9[%swap3A_380], %add3A_376 {strides = array<i32>} : memref<32768xi32, #tpu.memory_space<vmem>>, vector<16xi32>,
            %add3A_382 = arith.constant 128 : i32
            %add3A_383 = vector.broadcast %add3A_382 : i32 to vector<16xi32>
            %add3A_384 = arith.addi %add3A_376, %add3A_383 : vector<16xi32>
            %add3A_385 = arith.constant 8192 : i32
            %add3A_386 = arith.addi %mul3A_44, %add3A_385 : i32
            %add3A_387 = arith.addi %add3A_386, %add3A_378 : i32
            %swap3A_388 = arith.index_cast %add3A_387 : i32 to index
            %swap3A_389 = tpu.vector_load %arg9[%swap3A_388] {strides = array<i32>} : memref<32768xi32, #tpu.memory_space<vmem>>, vector<16xi32>,
            tpu.vector_store %arg9[%swap3A_388], %add3A_384 {strides = array<i32>} : memref<32768xi32, #tpu.memory_space<vmem>>, vector<16xi32>,
            %xor3A_390 = arith.xori %convert_element_type3A_267, %add3A_299 : vector<16xi32>
            %xor3A_391 = arith.xori %xor3A_390, %add3A_302 : vector<16xi32>
            %and3A_392 = arith.constant 524287 : i32
            %and3A_393 = vector.broadcast %and3A_392 : i32 to vector<16xi32>
            %and3A_394 = arith.andi %xor3A_391, %and3A_393 : vector<16xi32>
            %shift_right_arithmetic3A_395 = arith.constant 7 : i32
            %shift_right_arithmetic3A_396 = vector.broadcast %shift_right_arithmetic3A_395 : i32 to vector<16xi32>
            %shift_right_arithmetic3A_397 = arith.shrsi %and3A_394, %shift_right_arithmetic3A_396 : vector<16xi32>
            %shift_left3A_398 = arith.constant 8 : i32
            %shift_left3A_399 = vector.broadcast %shift_left3A_398 : i32 to vector<16xi32>
            %shift_left3A_400 = arith.shli %shift_right_arithmetic3A_397, %shift_left3A_399 : vector<16xi32>
            %add3A_401 = vector.broadcast %mul3A_79 : i32 to vector<16xi32>
            %add3A_402 = arith.addi %add3A_401, %shift_left3A_400 : vector<16xi32>
            %and3A_403 = arith.constant 127 : i32
            %and3A_404 = vector.broadcast %and3A_403 : i32 to vector<16xi32>
            %and3A_405 = arith.andi %and3A_394, %and3A_404 : vector<16xi32>
            %add3A_406 = arith.addi %add3A_402, %and3A_405 : vector<16xi32>
            %add3A_407 = arith.constant 3072 : i32
            %add3A_408 = arith.addi %add3A_407, %mul3A_249 : i32
            %add3A_409 = arith.addi %mul3A_44, %add3A_408 : i32
            %swap3A_410 = arith.index_cast %add3A_409 : i32 to index
            %swap3A_411 = tpu.vector_load %arg9[%swap3A_410] {strides = array<i32>} : memref<32768xi32, #tpu.memory_space<vmem>>, vector<16xi32>,
            tpu.vector_store %arg9[%swap3A_410], %add3A_406 {strides = array<i32>} : memref<32768xi32, #tpu.memory_space<vmem>>, vector<16xi32>,
            %add3A_412 = arith.constant 128 : i32
            %add3A_413 = vector.broadcast %add3A_412 : i32 to vector<16xi32>
            %add3A_414 = arith.addi %add3A_406, %add3A_413 : vector<16xi32>
            %add3A_415 = arith.constant 8192 : i32
            %add3A_416 = arith.addi %mul3A_44, %add3A_415 : i32
            %add3A_417 = arith.addi %add3A_416, %add3A_408 : i32
            %swap3A_418 = arith.index_cast %add3A_417 : i32 to index
            %swap3A_419 = tpu.vector_load %arg9[%swap3A_418] {strides = array<i32>} : memref<32768xi32, #tpu.memory_space<vmem>>, vector<16xi32>,
            tpu.vector_store %arg9[%swap3A_418], %add3A_414 {strides = array<i32>} : memref<32768xi32, #tpu.memory_space<vmem>>, vector<16xi32>,
            %xor3A_420 = arith.xori %add3A_296, %mul3A_290 : vector<16xi32>
            %xor3A_421 = arith.xori %xor3A_420, %mul3A_293 : vector<16xi32>
            %and3A_422 = arith.constant 524287 : i32
            %and3A_423 = vector.broadcast %and3A_422 : i32 to vector<16xi32>
            %and3A_424 = arith.andi %xor3A_421, %and3A_423 : vector<16xi32>
            %shift_right_arithmetic3A_425 = arith.constant 7 : i32
            %shift_right_arithmetic3A_426 = vector.broadcast %shift_right_arithmetic3A_425 : i32 to vector<16xi32>
            %shift_right_arithmetic3A_427 = arith.shrsi %and3A_424, %shift_right_arithmetic3A_426 : vector<16xi32>
            %shift_left3A_428 = arith.constant 8 : i32
            %shift_left3A_429 = vector.broadcast %shift_left3A_428 : i32 to vector<16xi32>
            %shift_left3A_430 = arith.shli %shift_right_arithmetic3A_427, %shift_left3A_429 : vector<16xi32>
            %add3A_431 = vector.broadcast %mul3A_79 : i32 to vector<16xi32>
            %add3A_432 = arith.addi %add3A_431, %shift_left3A_430 : vector<16xi32>
            %and3A_433 = arith.constant 127 : i32
            %and3A_434 = vector.broadcast %and3A_433 : i32 to vector<16xi32>
            %and3A_435 = arith.andi %and3A_424, %and3A_434 : vector<16xi32>
            %add3A_436 = arith.addi %add3A_432, %and3A_435 : vector<16xi32>
            %add3A_437 = arith.constant 4096 : i32
            %add3A_438 = arith.addi %add3A_437, %mul3A_249 : i32
            %add3A_439 = arith.addi %mul3A_44, %add3A_438 : i32
            %swap3A_440 = arith.index_cast %add3A_439 : i32 to index
            %swap3A_441 = tpu.vector_load %arg9[%swap3A_440] {strides = array<i32>} : memref<32768xi32, #tpu.memory_space<vmem>>, vector<16xi32>,
            tpu.vector_store %arg9[%swap3A_440], %add3A_436 {strides = array<i32>} : memref<32768xi32, #tpu.memory_space<vmem>>, vector<16xi32>,
            %add3A_442 = arith.constant 128 : i32
            %add3A_443 = vector.broadcast %add3A_442 : i32 to vector<16xi32>
            %add3A_444 = arith.addi %add3A_436, %add3A_443 : vector<16xi32>
            %add3A_445 = arith.constant 8192 : i32
            %add3A_446 = arith.addi %mul3A_44, %add3A_445 : i32
            %add3A_447 = arith.addi %add3A_446, %add3A_438 : i32
            %swap3A_448 = arith.index_cast %add3A_447 : i32 to index
            %swap3A_449 = tpu.vector_load %arg9[%swap3A_448] {strides = array<i32>} : memref<32768xi32, #tpu.memory_space<vmem>>, vector<16xi32>,
            tpu.vector_store %arg9[%swap3A_448], %add3A_444 {strides = array<i32>} : memref<32768xi32, #tpu.memory_space<vmem>>, vector<16xi32>,
            %xor3A_450 = arith.xori %add3A_296, %mul3A_290 : vector<16xi32>
            %xor3A_451 = arith.xori %xor3A_450, %add3A_302 : vector<16xi32>
            %and3A_452 = arith.constant 524287 : i32
            %and3A_453 = vector.broadcast %and3A_452 : i32 to vector<16xi32>
            %and3A_454 = arith.andi %xor3A_451, %and3A_453 : vector<16xi32>
            %shift_right_arithmetic3A_455 = arith.constant 7 : i32
            %shift_right_arithmetic3A_456 = vector.broadcast %shift_right_arithmetic3A_455 : i32 to vector<16xi32>
            %shift_right_arithmetic3A_457 = arith.shrsi %and3A_454, %shift_right_arithmetic3A_456 : vector<16xi32>
            %shift_left3A_458 = arith.constant 8 : i32
            %shift_left3A_459 = vector.broadcast %shift_left3A_458 : i32 to vector<16xi32>
            %shift_left3A_460 = arith.shli %shift_right_arithmetic3A_457, %shift_left3A_459 : vector<16xi32>
            %add3A_461 = vector.broadcast %mul3A_79 : i32 to vector<16xi32>
            %add3A_462 = arith.addi %add3A_461, %shift_left3A_460 : vector<16xi32>
            %and3A_463 = arith.constant 127 : i32
            %and3A_464 = vector.broadcast %and3A_463 : i32 to vector<16xi32>
            %and3A_465 = arith.andi %and3A_454, %and3A_464 : vector<16xi32>
            %add3A_466 = arith.addi %add3A_462, %and3A_465 : vector<16xi32>
            %add3A_467 = arith.constant 5120 : i32
            %add3A_468 = arith.addi %add3A_467, %mul3A_249 : i32
            %add3A_469 = arith.addi %mul3A_44, %add3A_468 : i32
            %swap3A_470 = arith.index_cast %add3A_469 : i32 to index
            %swap3A_471 = tpu.vector_load %arg9[%swap3A_470] {strides = array<i32>} : memref<32768xi32, #tpu.memory_space<vmem>>, vector<16xi32>,
            tpu.vector_store %arg9[%swap3A_470], %add3A_466 {strides = array<i32>} : memref<32768xi32, #tpu.memory_space<vmem>>, vector<16xi32>,
            %add3A_472 = arith.constant 128 : i32
            %add3A_473 = vector.broadcast %add3A_472 : i32 to vector<16xi32>
            %add3A_474 = arith.addi %add3A_466, %add3A_473 : vector<16xi32>
            %add3A_475 = arith.constant 8192 : i32
            %add3A_476 = arith.addi %mul3A_44, %add3A_475 : i32
            %add3A_477 = arith.addi %add3A_476, %add3A_468 : i32
            %swap3A_478 = arith.index_cast %add3A_477 : i32 to index
            %swap3A_479 = tpu.vector_load %arg9[%swap3A_478] {strides = array<i32>} : memref<32768xi32, #tpu.memory_space<vmem>>, vector<16xi32>,
            tpu.vector_store %arg9[%swap3A_478], %add3A_474 {strides = array<i32>} : memref<32768xi32, #tpu.memory_space<vmem>>, vector<16xi32>,
            %xor3A_480 = arith.xori %add3A_296, %add3A_299 : vector<16xi32>
            %xor3A_481 = arith.xori %xor3A_480, %mul3A_293 : vector<16xi32>
            %and3A_482 = arith.constant 524287 : i32
            %and3A_483 = vector.broadcast %and3A_482 : i32 to vector<16xi32>
            %and3A_484 = arith.andi %xor3A_481, %and3A_483 : vector<16xi32>
            %shift_right_arithmetic3A_485 = arith.constant 7 : i32
            %shift_right_arithmetic3A_486 = vector.broadcast %shift_right_arithmetic3A_485 : i32 to vector<16xi32>
            %shift_right_arithmetic3A_487 = arith.shrsi %and3A_484, %shift_right_arithmetic3A_486 : vector<16xi32>
            %shift_left3A_488 = arith.constant 8 : i32
            %shift_left3A_489 = vector.broadcast %shift_left3A_488 : i32 to vector<16xi32>
            %shift_left3A_490 = arith.shli %shift_right_arithmetic3A_487, %shift_left3A_489 : vector<16xi32>
            %add3A_491 = vector.broadcast %mul3A_79 : i32 to vector<16xi32>
            %add3A_492 = arith.addi %add3A_491, %shift_left3A_490 : vector<16xi32>
            %and3A_493 = arith.constant 127 : i32
            %and3A_494 = vector.broadcast %and3A_493 : i32 to vector<16xi32>
            %and3A_495 = arith.andi %and3A_484, %and3A_494 : vector<16xi32>
            %add3A_496 = arith.addi %add3A_492, %and3A_495 : vector<16xi32>
            %add3A_497 = arith.constant 6144 : i32
            %add3A_498 = arith.addi %add3A_497, %mul3A_249 : i32
            %add3A_499 = arith.addi %mul3A_44, %add3A_498 : i32
            %swap3A_500 = arith.index_cast %add3A_499 : i32 to index
            %swap3A_501 = tpu.vector_load %arg9[%swap3A_500] {strides = array<i32>} : memref<32768xi32, #tpu.memory_space<vmem>>, vector<16xi32>,
            tpu.vector_store %arg9[%swap3A_500], %add3A_496 {strides = array<i32>} : memref<32768xi32, #tpu.memory_space<vmem>>, vector<16xi32>,
            %add3A_502 = arith.constant 128 : i32
            %add3A_503 = vector.broadcast %add3A_502 : i32 to vector<16xi32>
            %add3A_504 = arith.addi %add3A_496, %add3A_503 : vector<16xi32>
            %add3A_505 = arith.constant 8192 : i32
            %add3A_506 = arith.addi %mul3A_44, %add3A_505 : i32
            %add3A_507 = arith.addi %add3A_506, %add3A_498 : i32
            %swap3A_508 = arith.index_cast %add3A_507 : i32 to index
            %swap3A_509 = tpu.vector_load %arg9[%swap3A_508] {strides = array<i32>} : memref<32768xi32, #tpu.memory_space<vmem>>, vector<16xi32>,
            tpu.vector_store %arg9[%swap3A_508], %add3A_504 {strides = array<i32>} : memref<32768xi32, #tpu.memory_space<vmem>>, vector<16xi32>,
            %xor3A_510 = arith.xori %add3A_296, %add3A_299 : vector<16xi32>
            %xor3A_511 = arith.xori %xor3A_510, %add3A_302 : vector<16xi32>
            %and3A_512 = arith.constant 524287 : i32
            %and3A_513 = vector.broadcast %and3A_512 : i32 to vector<16xi32>
            %and3A_514 = arith.andi %xor3A_511, %and3A_513 : vector<16xi32>
            %shift_right_arithmetic3A_515 = arith.constant 7 : i32
            %shift_right_arithmetic3A_516 = vector.broadcast %shift_right_arithmetic3A_515 : i32 to vector<16xi32>
            %shift_right_arithmetic3A_517 = arith.shrsi %and3A_514, %shift_right_arithmetic3A_516 : vector<16xi32>
            %shift_left3A_518 = arith.constant 8 : i32
            %shift_left3A_519 = vector.broadcast %shift_left3A_518 : i32 to vector<16xi32>
            %shift_left3A_520 = arith.shli %shift_right_arithmetic3A_517, %shift_left3A_519 : vector<16xi32>
            %add3A_521 = vector.broadcast %mul3A_79 : i32 to vector<16xi32>
            %add3A_522 = arith.addi %add3A_521, %shift_left3A_520 : vector<16xi32>
            %and3A_523 = arith.constant 127 : i32
            %and3A_524 = vector.broadcast %and3A_523 : i32 to vector<16xi32>
            %and3A_525 = arith.andi %and3A_514, %and3A_524 : vector<16xi32>
            %add3A_526 = arith.addi %add3A_522, %and3A_525 : vector<16xi32>
            %add3A_527 = arith.constant 7168 : i32
            %add3A_528 = arith.addi %add3A_527, %mul3A_249 : i32
            %add3A_529 = arith.addi %mul3A_44, %add3A_528 : i32
            %swap3A_530 = arith.index_cast %add3A_529 : i32 to index
            %swap3A_531 = tpu.vector_load %arg9[%swap3A_530] {strides = array<i32>} : memref<32768xi32, #tpu.memory_space<vmem>>, vector<16xi32>,
            tpu.vector_store %arg9[%swap3A_530], %add3A_526 {strides = array<i32>} : memref<32768xi32, #tpu.memory_space<vmem>>, vector<16xi32>,
            %add3A_532 = arith.constant 128 : i32
            %add3A_533 = vector.broadcast %add3A_532 : i32 to vector<16xi32>
            %add3A_534 = arith.addi %add3A_526, %add3A_533 : vector<16xi32>
            %add3A_535 = arith.constant 8192 : i32
            %add3A_536 = arith.addi %mul3A_44, %add3A_535 : i32
            %add3A_537 = arith.addi %add3A_536, %add3A_528 : i32
            %swap3A_538 = arith.index_cast %add3A_537 : i32 to index
            %swap3A_539 = tpu.vector_load %arg9[%swap3A_538] {strides = array<i32>} : memref<32768xi32, #tpu.memory_space<vmem>>, vector<16xi32>,
            tpu.vector_store %arg9[%swap3A_538], %add3A_534 {strides = array<i32>} : memref<32768xi32, #tpu.memory_space<vmem>>, vector<16xi32>,
          }
          %scan3A_89 = arith.constant 64 : i32
        } else {
        }
        %eq3A_62 = arith.constant 15 : i32
        %eq3A_63 = arith.cmpi eq, %scan3A_30, %eq3A_62 : i32
        %convert_element_type3A_64 = arith.extui %eq3A_63 : i1 to i32
        %cond3A_65 = arith.constant 0 : i32
        %cond3A_66 = arith.cmpi ne, %convert_element_type3A_64, %cond3A_65 : i32
        scf.if %cond3A_66 {
          %sub3A_70 = arith.constant 1 : i32
          %sub3A_71 = arith.subi %scan3A_30, %sub3A_70 : i32
          %mul3A_72 = arith.constant 2 : i32
          %mul3A_73 = arith.muli %mul3A_72, %sub3A_71 : i32
          %broadcast_in_dim3A_74 = vector.broadcast %mul3A_73 : i32 to vector<16xi32>
          %scan3A_75 = arith.constant 0 : i32
          %scan3A_76 = arith.constant 64 : i32
          %scan3A_77 = arith.addi %scan3A_75, %scan3A_76 : i32
          %scan3A_78 = arith.constant 1 : i32
          scf.for %scan3A_80 = %scan3A_75 to %scan3A_77 step %scan3A_78  : i32 {
            %mul3A_81 = arith.constant 16 : i32
            %mul3A_82 = arith.muli %scan3A_80, %mul3A_81 : i32
            %add3A_83 = arith.addi %mul3A_50, %mul3A_82 : i32
            %get3A_84 = arith.index_cast %add3A_83 : i32 to index
            %get3A_85 = tpu.vector_load %arg7[%get3A_84] {strides = array<i32>} : memref<6144xf32, #tpu.memory_space<vmem>>, vector<16xf32>,
            %add3A_86 = arith.constant 1024 : i32
            %add3A_87 = arith.addi %mul3A_50, %add3A_86 : i32
            %add3A_88 = arith.addi %add3A_87, %mul3A_82 : i32
            %get3A_89 = arith.index_cast %add3A_88 : i32 to index
            %get3A_90 = tpu.vector_load %arg7[%get3A_89] {strides = array<i32>} : memref<6144xf32, #tpu.memory_space<vmem>>, vector<16xf32>,
            %add3A_91 = arith.constant 2048 : i32
            %add3A_92 = arith.addi %mul3A_50, %add3A_91 : i32
            %add3A_93 = arith.addi %add3A_92, %mul3A_82 : i32
            %get3A_94 = arith.index_cast %add3A_93 : i32 to index
            %get3A_95 = tpu.vector_load %arg7[%get3A_94] {strides = array<i32>} : memref<6144xf32, #tpu.memory_space<vmem>>, vector<16xf32>,
            %sub3A_96 = arith.constant 1.000000e+00 : f32
            %sub3A_97 = vector.broadcast %sub3A_96 : f32 to vector<16xf32>
            %sub3A_98 = arith.subf %sub3A_97, %get3A_85 : vector<16xf32>
            %sub3A_99 = arith.constant 1.000000e+00 : f32
            %sub3A_100 = vector.broadcast %sub3A_99 : f32 to vector<16xf32>
            %sub3A_101 = arith.subf %sub3A_100, %get3A_90 : vector<16xf32>
            %sub3A_102 = arith.constant 1.000000e+00 : f32
            %sub3A_103 = vector.broadcast %sub3A_102 : f32 to vector<16xf32>
            %sub3A_104 = arith.subf %sub3A_103, %get3A_95 : vector<16xf32>
            %mul3A_105 = arith.mulf %sub3A_98, %sub3A_101 : vector<16xf32>
            %mul3A_106 = arith.mulf %sub3A_98, %get3A_90 : vector<16xf32>
            %mul3A_107 = arith.mulf %get3A_85, %sub3A_101 : vector<16xf32>
            %mul3A_108 = arith.mulf %get3A_85, %get3A_90 : vector<16xf32>
            %broadcast_in_dim3A_109 = arith.constant 0.000000e+00 : f32
            %broadcast_in_dim3A_110 = vector.broadcast %broadcast_in_dim3A_109 : f32 to vector<16xf32>
            %broadcast_in_dim3A_111 = arith.constant 0.000000e+00 : f32
            %broadcast_in_dim3A_112 = vector.broadcast %broadcast_in_dim3A_111 : f32 to vector<16xf32>
            %mul3A_113 = arith.mulf %mul3A_105, %sub3A_104 : vector<16xf32>
            %add3A_114 = arith.constant 0 : i32
            %add3A_115 = arith.addi %add3A_114, %mul3A_82 : i32
            %add3A_116 = arith.addi %mul3A_44, %add3A_115 : i32
            %get3A_117 = arith.index_cast %add3A_116 : i32 to index
            %get3A_118 = tpu.vector_load %arg10[%get3A_117] {strides = array<i32>} : memref<32768xf32, #tpu.memory_space<vmem>>, vector<16xf32>,
            %mul3A_119 = arith.mulf %mul3A_113, %get3A_118 : vector<16xf32>
            %add3A_120 = arith.addf %broadcast_in_dim3A_110, %mul3A_119 : vector<16xf32>
            %add3A_121 = arith.constant 8192 : i32
            %add3A_122 = arith.addi %mul3A_44, %add3A_121 : i32
            %add3A_123 = arith.addi %add3A_122, %add3A_115 : i32
            %get3A_124 = arith.index_cast %add3A_123 : i32 to index
            %get3A_125 = tpu.vector_load %arg10[%get3A_124] {strides = array<i32>} : memref<32768xf32, #tpu.memory_space<vmem>>, vector<16xf32>,
            %mul3A_126 = arith.mulf %mul3A_113, %get3A_125 : vector<16xf32>
            %add3A_127 = arith.addf %broadcast_in_dim3A_112, %mul3A_126 : vector<16xf32>
            %mul3A_128 = arith.mulf %mul3A_105, %get3A_95 : vector<16xf32>
            %add3A_129 = arith.constant 1024 : i32
            %add3A_130 = arith.addi %add3A_129, %mul3A_82 : i32
            %add3A_131 = arith.addi %mul3A_44, %add3A_130 : i32
            %get3A_132 = arith.index_cast %add3A_131 : i32 to index
            %get3A_133 = tpu.vector_load %arg10[%get3A_132] {strides = array<i32>} : memref<32768xf32, #tpu.memory_space<vmem>>, vector<16xf32>,
            %mul3A_134 = arith.mulf %mul3A_128, %get3A_133 : vector<16xf32>
            %add3A_135 = arith.addf %add3A_120, %mul3A_134 : vector<16xf32>
            %add3A_136 = arith.constant 8192 : i32
            %add3A_137 = arith.addi %mul3A_44, %add3A_136 : i32
            %add3A_138 = arith.addi %add3A_137, %add3A_130 : i32
            %get3A_139 = arith.index_cast %add3A_138 : i32 to index
            %get3A_140 = tpu.vector_load %arg10[%get3A_139] {strides = array<i32>} : memref<32768xf32, #tpu.memory_space<vmem>>, vector<16xf32>,
            %mul3A_141 = arith.mulf %mul3A_128, %get3A_140 : vector<16xf32>
            %add3A_142 = arith.addf %add3A_127, %mul3A_141 : vector<16xf32>
            %mul3A_143 = arith.mulf %mul3A_106, %sub3A_104 : vector<16xf32>
            %add3A_144 = arith.constant 2048 : i32
            %add3A_145 = arith.addi %add3A_144, %mul3A_82 : i32
            %add3A_146 = arith.addi %mul3A_44, %add3A_145 : i32
            %get3A_147 = arith.index_cast %add3A_146 : i32 to index
            %get3A_148 = tpu.vector_load %arg10[%get3A_147] {strides = array<i32>} : memref<32768xf32, #tpu.memory_space<vmem>>, vector<16xf32>,
            %mul3A_149 = arith.mulf %mul3A_143, %get3A_148 : vector<16xf32>
            %add3A_150 = arith.addf %add3A_135, %mul3A_149 : vector<16xf32>
            %add3A_151 = arith.constant 8192 : i32
            %add3A_152 = arith.addi %mul3A_44, %add3A_151 : i32
            %add3A_153 = arith.addi %add3A_152, %add3A_145 : i32
            %get3A_154 = arith.index_cast %add3A_153 : i32 to index
            %get3A_155 = tpu.vector_load %arg10[%get3A_154] {strides = array<i32>} : memref<32768xf32, #tpu.memory_space<vmem>>, vector<16xf32>,
            %mul3A_156 = arith.mulf %mul3A_143, %get3A_155 : vector<16xf32>
            %add3A_157 = arith.addf %add3A_142, %mul3A_156 : vector<16xf32>
            %mul3A_158 = arith.mulf %mul3A_106, %get3A_95 : vector<16xf32>
            %add3A_159 = arith.constant 3072 : i32
            %add3A_160 = arith.addi %add3A_159, %mul3A_82 : i32
            %add3A_161 = arith.addi %mul3A_44, %add3A_160 : i32
            %get3A_162 = arith.index_cast %add3A_161 : i32 to index
            %get3A_163 = tpu.vector_load %arg10[%get3A_162] {strides = array<i32>} : memref<32768xf32, #tpu.memory_space<vmem>>, vector<16xf32>,
            %mul3A_164 = arith.mulf %mul3A_158, %get3A_163 : vector<16xf32>
            %add3A_165 = arith.addf %add3A_150, %mul3A_164 : vector<16xf32>
            %add3A_166 = arith.constant 8192 : i32
            %add3A_167 = arith.addi %mul3A_44, %add3A_166 : i32
            %add3A_168 = arith.addi %add3A_167, %add3A_160 : i32
            %get3A_169 = arith.index_cast %add3A_168 : i32 to index
            %get3A_170 = tpu.vector_load %arg10[%get3A_169] {strides = array<i32>} : memref<32768xf32, #tpu.memory_space<vmem>>, vector<16xf32>,
            %mul3A_171 = arith.mulf %mul3A_158, %get3A_170 : vector<16xf32>
            %add3A_172 = arith.addf %add3A_157, %mul3A_171 : vector<16xf32>
            %mul3A_173 = arith.mulf %mul3A_107, %sub3A_104 : vector<16xf32>
            %add3A_174 = arith.constant 4096 : i32
            %add3A_175 = arith.addi %add3A_174, %mul3A_82 : i32
            %add3A_176 = arith.addi %mul3A_44, %add3A_175 : i32
            %get3A_177 = arith.index_cast %add3A_176 : i32 to index
            %get3A_178 = tpu.vector_load %arg10[%get3A_177] {strides = array<i32>} : memref<32768xf32, #tpu.memory_space<vmem>>, vector<16xf32>,
            %mul3A_179 = arith.mulf %mul3A_173, %get3A_178 : vector<16xf32>
            %add3A_180 = arith.addf %add3A_165, %mul3A_179 : vector<16xf32>
            %add3A_181 = arith.constant 8192 : i32
            %add3A_182 = arith.addi %mul3A_44, %add3A_181 : i32
            %add3A_183 = arith.addi %add3A_182, %add3A_175 : i32
            %get3A_184 = arith.index_cast %add3A_183 : i32 to index
            %get3A_185 = tpu.vector_load %arg10[%get3A_184] {strides = array<i32>} : memref<32768xf32, #tpu.memory_space<vmem>>, vector<16xf32>,
            %mul3A_186 = arith.mulf %mul3A_173, %get3A_185 : vector<16xf32>
            %add3A_187 = arith.addf %add3A_172, %mul3A_186 : vector<16xf32>
            %mul3A_188 = arith.mulf %mul3A_107, %get3A_95 : vector<16xf32>
            %add3A_189 = arith.constant 5120 : i32
            %add3A_190 = arith.addi %add3A_189, %mul3A_82 : i32
            %add3A_191 = arith.addi %mul3A_44, %add3A_190 : i32
            %get3A_192 = arith.index_cast %add3A_191 : i32 to index
            %get3A_193 = tpu.vector_load %arg10[%get3A_192] {strides = array<i32>} : memref<32768xf32, #tpu.memory_space<vmem>>, vector<16xf32>,
            %mul3A_194 = arith.mulf %mul3A_188, %get3A_193 : vector<16xf32>
            %add3A_195 = arith.addf %add3A_180, %mul3A_194 : vector<16xf32>
            %add3A_196 = arith.constant 8192 : i32
            %add3A_197 = arith.addi %mul3A_44, %add3A_196 : i32
            %add3A_198 = arith.addi %add3A_197, %add3A_190 : i32
            %get3A_199 = arith.index_cast %add3A_198 : i32 to index
            %get3A_200 = tpu.vector_load %arg10[%get3A_199] {strides = array<i32>} : memref<32768xf32, #tpu.memory_space<vmem>>, vector<16xf32>,
            %mul3A_201 = arith.mulf %mul3A_188, %get3A_200 : vector<16xf32>
            %add3A_202 = arith.addf %add3A_187, %mul3A_201 : vector<16xf32>
            %mul3A_203 = arith.mulf %mul3A_108, %sub3A_104 : vector<16xf32>
            %add3A_204 = arith.constant 6144 : i32
            %add3A_205 = arith.addi %add3A_204, %mul3A_82 : i32
            %add3A_206 = arith.addi %mul3A_44, %add3A_205 : i32
            %get3A_207 = arith.index_cast %add3A_206 : i32 to index
            %get3A_208 = tpu.vector_load %arg10[%get3A_207] {strides = array<i32>} : memref<32768xf32, #tpu.memory_space<vmem>>, vector<16xf32>,
            %mul3A_209 = arith.mulf %mul3A_203, %get3A_208 : vector<16xf32>
            %add3A_210 = arith.addf %add3A_195, %mul3A_209 : vector<16xf32>
            %add3A_211 = arith.constant 8192 : i32
            %add3A_212 = arith.addi %mul3A_44, %add3A_211 : i32
            %add3A_213 = arith.addi %add3A_212, %add3A_205 : i32
            %get3A_214 = arith.index_cast %add3A_213 : i32 to index
            %get3A_215 = tpu.vector_load %arg10[%get3A_214] {strides = array<i32>} : memref<32768xf32, #tpu.memory_space<vmem>>, vector<16xf32>,
            %mul3A_216 = arith.mulf %mul3A_203, %get3A_215 : vector<16xf32>
            %add3A_217 = arith.addf %add3A_202, %mul3A_216 : vector<16xf32>
            %mul3A_218 = arith.mulf %mul3A_108, %get3A_95 : vector<16xf32>
            %add3A_219 = arith.constant 7168 : i32
            %add3A_220 = arith.addi %add3A_219, %mul3A_82 : i32
            %add3A_221 = arith.addi %mul3A_44, %add3A_220 : i32
            %get3A_222 = arith.index_cast %add3A_221 : i32 to index
            %get3A_223 = tpu.vector_load %arg10[%get3A_222] {strides = array<i32>} : memref<32768xf32, #tpu.memory_space<vmem>>, vector<16xf32>,
            %mul3A_224 = arith.mulf %mul3A_218, %get3A_223 : vector<16xf32>
            %add3A_225 = arith.addf %add3A_210, %mul3A_224 : vector<16xf32>
            %add3A_226 = arith.constant 8192 : i32
            %add3A_227 = arith.addi %mul3A_44, %add3A_226 : i32
            %add3A_228 = arith.addi %add3A_227, %add3A_220 : i32
            %get3A_229 = arith.index_cast %add3A_228 : i32 to index
            %get3A_230 = tpu.vector_load %arg10[%get3A_229] {strides = array<i32>} : memref<32768xf32, #tpu.memory_space<vmem>>, vector<16xf32>,
            %mul3A_231 = arith.mulf %mul3A_218, %get3A_230 : vector<16xf32>
            %add3A_232 = arith.addf %add3A_217, %mul3A_231 : vector<16xf32>
            %add3A_233 = vector.broadcast %mul3A_82 : i32 to vector<16xi32>
            %add3A_234 = arith.addi %add3A_233, %iota3A : vector<16xi32>
            tpu.vector_store_idx %arg11[%add3A_234, %broadcast_in_dim3A_74], %add3A_225 : memref<1024x32xf32, #tpu.memory_space<vmem>>[vector<16xi32>, vector<16xi32>], vector<16xf32>,
            %add3A_235 = arith.constant 1 : i32
            %add3A_236 = vector.broadcast %add3A_235 : i32 to vector<16xi32>
            %add3A_237 = arith.addi %broadcast_in_dim3A_74, %add3A_236 : vector<16xi32>
            tpu.vector_store_idx %arg11[%add3A_234, %add3A_237], %add3A_232 : memref<1024x32xf32, #tpu.memory_space<vmem>>[vector<16xi32>, vector<16xi32>], vector<16xf32>,
          }
          %scan3A_79 = arith.constant 64 : i32
        } else {
        }
        %dma_wait3A = tpu.memref_slice %arg10[%mul3A_35] : memref<32768xf32, #tpu.memory_space<vmem>> -> memref<16384xf32, #tpu.memory_space<vmem>>
        %dma_wait3A_67 = tpu.memref_slice %arg9[%mul3A_35] : memref<32768xi32, #tpu.memory_space<vmem>> -> memref<16384xi32, #tpu.memory_space<vmem>>
        %dma_wait3A_68 = arith.constant 0 : i32
        %dma_wait3A_69 = tpu.memref_slice %arg4[%dma_wait3A_68] : memref<16777216xf32, #tpu.memory_space<hbm>> -> memref<16777216xf32, #tpu.memory_space<hbm>>
        tpu.wait_indirect_dma semaphore(%arg12 : memref<!tpu.dma_semaphore, #tpu.memory_space<semaphore_mem>>) src(%dma_wait3A_69 : memref<16777216xf32, #tpu.memory_space<hbm>>) dst(%dma_wait3A : memref<16384xf32, #tpu.memory_space<vmem>>)
      }
      %scan3A_22 = arith.constant 16 : i32
      %broadcast_in_dim3A = arith.constant 30 : i32
      %broadcast_in_dim3A_23 = vector.broadcast %broadcast_in_dim3A : i32 to vector<16xi32>
      %scan3A_24 = arith.constant 0 : i32
      %scan3A_25 = arith.constant 64 : i32
      %scan3A_26 = arith.addi %scan3A_24, %scan3A_25 : i32
      %scan3A_27 = arith.constant 1 : i32
      scf.for %scan3A_30 = %scan3A_24 to %scan3A_26 step %scan3A_27  : i32 {
        %mul3A_31 = arith.constant 16 : i32
        %mul3A_32 = arith.muli %scan3A_30, %mul3A_31 : i32
        %add3A_33 = arith.constant 3072 : i32
        %add3A_34 = arith.addi %add3A_33, %mul3A_32 : i32
        %get3A_35 = arith.index_cast %add3A_34 : i32 to index
        %get3A_36 = tpu.vector_load %arg7[%get3A_35] {strides = array<i32>} : memref<6144xf32, #tpu.memory_space<vmem>>, vector<16xf32>,
        %add3A_37 = arith.constant 4096 : i32
        %add3A_38 = arith.addi %add3A_37, %mul3A_32 : i32
        %get3A_39 = arith.index_cast %add3A_38 : i32 to index
        %get3A_40 = tpu.vector_load %arg7[%get3A_39] {strides = array<i32>} : memref<6144xf32, #tpu.memory_space<vmem>>, vector<16xf32>,
        %add3A_41 = arith.constant 5120 : i32
        %add3A_42 = arith.addi %add3A_41, %mul3A_32 : i32
        %get3A_43 = arith.index_cast %add3A_42 : i32 to index
        %get3A_44 = tpu.vector_load %arg7[%get3A_43] {strides = array<i32>} : memref<6144xf32, #tpu.memory_space<vmem>>, vector<16xf32>,
        %sub3A = arith.constant 1.000000e+00 : f32
        %sub3A_45 = vector.broadcast %sub3A : f32 to vector<16xf32>
        %sub3A_46 = arith.subf %sub3A_45, %get3A_36 : vector<16xf32>
        %sub3A_47 = arith.constant 1.000000e+00 : f32
        %sub3A_48 = vector.broadcast %sub3A_47 : f32 to vector<16xf32>
        %sub3A_49 = arith.subf %sub3A_48, %get3A_40 : vector<16xf32>
        %sub3A_50 = arith.constant 1.000000e+00 : f32
        %sub3A_51 = vector.broadcast %sub3A_50 : f32 to vector<16xf32>
        %sub3A_52 = arith.subf %sub3A_51, %get3A_44 : vector<16xf32>
        %mul3A_53 = arith.mulf %sub3A_46, %sub3A_49 : vector<16xf32>
        %mul3A_54 = arith.mulf %sub3A_46, %get3A_40 : vector<16xf32>
        %mul3A_55 = arith.mulf %get3A_36, %sub3A_49 : vector<16xf32>
        %mul3A_56 = arith.mulf %get3A_36, %get3A_40 : vector<16xf32>
        %broadcast_in_dim3A_57 = arith.constant 0.000000e+00 : f32
        %broadcast_in_dim3A_58 = vector.broadcast %broadcast_in_dim3A_57 : f32 to vector<16xf32>
        %broadcast_in_dim3A_59 = arith.constant 0.000000e+00 : f32
        %broadcast_in_dim3A_60 = vector.broadcast %broadcast_in_dim3A_59 : f32 to vector<16xf32>
        %mul3A_61 = arith.mulf %mul3A_53, %sub3A_52 : vector<16xf32>
        %add3A_62 = arith.constant 0 : i32
        %add3A_63 = arith.addi %add3A_62, %mul3A_32 : i32
        %add3A_64 = arith.constant 16384 : i32
        %add3A_65 = arith.addi %add3A_64, %add3A_63 : i32
        %get3A_66 = arith.index_cast %add3A_65 : i32 to index
        %get3A_67 = tpu.vector_load %arg10[%get3A_66] {strides = array<i32>} : memref<32768xf32, #tpu.memory_space<vmem>>, vector<16xf32>,
        %mul3A_68 = arith.mulf %mul3A_61, %get3A_67 : vector<16xf32>
        %add3A_69 = arith.addf %broadcast_in_dim3A_58, %mul3A_68 : vector<16xf32>
        %add3A_70 = arith.constant 24576 : i32
        %add3A_71 = arith.addi %add3A_70, %add3A_63 : i32
        %get3A_72 = arith.index_cast %add3A_71 : i32 to index
        %get3A_73 = tpu.vector_load %arg10[%get3A_72] {strides = array<i32>} : memref<32768xf32, #tpu.memory_space<vmem>>, vector<16xf32>,
        %mul3A_74 = arith.mulf %mul3A_61, %get3A_73 : vector<16xf32>
        %add3A_75 = arith.addf %broadcast_in_dim3A_60, %mul3A_74 : vector<16xf32>
        %mul3A_76 = arith.mulf %mul3A_53, %get3A_44 : vector<16xf32>
        %add3A_77 = arith.constant 1024 : i32
        %add3A_78 = arith.addi %add3A_77, %mul3A_32 : i32
        %add3A_79 = arith.constant 16384 : i32
        %add3A_80 = arith.addi %add3A_79, %add3A_78 : i32
        %get3A_81 = arith.index_cast %add3A_80 : i32 to index
        %get3A_82 = tpu.vector_load %arg10[%get3A_81] {strides = array<i32>} : memref<32768xf32, #tpu.memory_space<vmem>>, vector<16xf32>,
        %mul3A_83 = arith.mulf %mul3A_76, %get3A_82 : vector<16xf32>
        %add3A_84 = arith.addf %add3A_69, %mul3A_83 : vector<16xf32>
        %add3A_85 = arith.constant 24576 : i32
        %add3A_86 = arith.addi %add3A_85, %add3A_78 : i32
        %get3A_87 = arith.index_cast %add3A_86 : i32 to index
        %get3A_88 = tpu.vector_load %arg10[%get3A_87] {strides = array<i32>} : memref<32768xf32, #tpu.memory_space<vmem>>, vector<16xf32>,
        %mul3A_89 = arith.mulf %mul3A_76, %get3A_88 : vector<16xf32>
        %add3A_90 = arith.addf %add3A_75, %mul3A_89 : vector<16xf32>
        %mul3A_91 = arith.mulf %mul3A_54, %sub3A_52 : vector<16xf32>
        %add3A_92 = arith.constant 2048 : i32
        %add3A_93 = arith.addi %add3A_92, %mul3A_32 : i32
        %add3A_94 = arith.constant 16384 : i32
        %add3A_95 = arith.addi %add3A_94, %add3A_93 : i32
        %get3A_96 = arith.index_cast %add3A_95 : i32 to index
        %get3A_97 = tpu.vector_load %arg10[%get3A_96] {strides = array<i32>} : memref<32768xf32, #tpu.memory_space<vmem>>, vector<16xf32>,
        %mul3A_98 = arith.mulf %mul3A_91, %get3A_97 : vector<16xf32>
        %add3A_99 = arith.addf %add3A_84, %mul3A_98 : vector<16xf32>
        %add3A_100 = arith.constant 24576 : i32
        %add3A_101 = arith.addi %add3A_100, %add3A_93 : i32
        %get3A_102 = arith.index_cast %add3A_101 : i32 to index
        %get3A_103 = tpu.vector_load %arg10[%get3A_102] {strides = array<i32>} : memref<32768xf32, #tpu.memory_space<vmem>>, vector<16xf32>,
        %mul3A_104 = arith.mulf %mul3A_91, %get3A_103 : vector<16xf32>
        %add3A_105 = arith.addf %add3A_90, %mul3A_104 : vector<16xf32>
        %mul3A_106 = arith.mulf %mul3A_54, %get3A_44 : vector<16xf32>
        %add3A_107 = arith.constant 3072 : i32
        %add3A_108 = arith.addi %add3A_107, %mul3A_32 : i32
        %add3A_109 = arith.constant 16384 : i32
        %add3A_110 = arith.addi %add3A_109, %add3A_108 : i32
        %get3A_111 = arith.index_cast %add3A_110 : i32 to index
        %get3A_112 = tpu.vector_load %arg10[%get3A_111] {strides = array<i32>} : memref<32768xf32, #tpu.memory_space<vmem>>, vector<16xf32>,
        %mul3A_113 = arith.mulf %mul3A_106, %get3A_112 : vector<16xf32>
        %add3A_114 = arith.addf %add3A_99, %mul3A_113 : vector<16xf32>
        %add3A_115 = arith.constant 24576 : i32
        %add3A_116 = arith.addi %add3A_115, %add3A_108 : i32
        %get3A_117 = arith.index_cast %add3A_116 : i32 to index
        %get3A_118 = tpu.vector_load %arg10[%get3A_117] {strides = array<i32>} : memref<32768xf32, #tpu.memory_space<vmem>>, vector<16xf32>,
        %mul3A_119 = arith.mulf %mul3A_106, %get3A_118 : vector<16xf32>
        %add3A_120 = arith.addf %add3A_105, %mul3A_119 : vector<16xf32>
        %mul3A_121 = arith.mulf %mul3A_55, %sub3A_52 : vector<16xf32>
        %add3A_122 = arith.constant 4096 : i32
        %add3A_123 = arith.addi %add3A_122, %mul3A_32 : i32
        %add3A_124 = arith.constant 16384 : i32
        %add3A_125 = arith.addi %add3A_124, %add3A_123 : i32
        %get3A_126 = arith.index_cast %add3A_125 : i32 to index
        %get3A_127 = tpu.vector_load %arg10[%get3A_126] {strides = array<i32>} : memref<32768xf32, #tpu.memory_space<vmem>>, vector<16xf32>,
        %mul3A_128 = arith.mulf %mul3A_121, %get3A_127 : vector<16xf32>
        %add3A_129 = arith.addf %add3A_114, %mul3A_128 : vector<16xf32>
        %add3A_130 = arith.constant 24576 : i32
        %add3A_131 = arith.addi %add3A_130, %add3A_123 : i32
        %get3A_132 = arith.index_cast %add3A_131 : i32 to index
        %get3A_133 = tpu.vector_load %arg10[%get3A_132] {strides = array<i32>} : memref<32768xf32, #tpu.memory_space<vmem>>, vector<16xf32>,
        %mul3A_134 = arith.mulf %mul3A_121, %get3A_133 : vector<16xf32>
        %add3A_135 = arith.addf %add3A_120, %mul3A_134 : vector<16xf32>
        %mul3A_136 = arith.mulf %mul3A_55, %get3A_44 : vector<16xf32>
        %add3A_137 = arith.constant 5120 : i32
        %add3A_138 = arith.addi %add3A_137, %mul3A_32 : i32
        %add3A_139 = arith.constant 16384 : i32
        %add3A_140 = arith.addi %add3A_139, %add3A_138 : i32
        %get3A_141 = arith.index_cast %add3A_140 : i32 to index
        %get3A_142 = tpu.vector_load %arg10[%get3A_141] {strides = array<i32>} : memref<32768xf32, #tpu.memory_space<vmem>>, vector<16xf32>,
        %mul3A_143 = arith.mulf %mul3A_136, %get3A_142 : vector<16xf32>
        %add3A_144 = arith.addf %add3A_129, %mul3A_143 : vector<16xf32>
        %add3A_145 = arith.constant 24576 : i32
        %add3A_146 = arith.addi %add3A_145, %add3A_138 : i32
        %get3A_147 = arith.index_cast %add3A_146 : i32 to index
        %get3A_148 = tpu.vector_load %arg10[%get3A_147] {strides = array<i32>} : memref<32768xf32, #tpu.memory_space<vmem>>, vector<16xf32>,
        %mul3A_149 = arith.mulf %mul3A_136, %get3A_148 : vector<16xf32>
        %add3A_150 = arith.addf %add3A_135, %mul3A_149 : vector<16xf32>
        %mul3A_151 = arith.mulf %mul3A_56, %sub3A_52 : vector<16xf32>
        %add3A_152 = arith.constant 6144 : i32
        %add3A_153 = arith.addi %add3A_152, %mul3A_32 : i32
        %add3A_154 = arith.constant 16384 : i32
        %add3A_155 = arith.addi %add3A_154, %add3A_153 : i32
        %get3A_156 = arith.index_cast %add3A_155 : i32 to index
        %get3A_157 = tpu.vector_load %arg10[%get3A_156] {strides = array<i32>} : memref<32768xf32, #tpu.memory_space<vmem>>, vector<16xf32>,
        %mul3A_158 = arith.mulf %mul3A_151, %get3A_157 : vector<16xf32>
        %add3A_159 = arith.addf %add3A_144, %mul3A_158 : vector<16xf32>
        %add3A_160 = arith.constant 24576 : i32
        %add3A_161 = arith.addi %add3A_160, %add3A_153 : i32
        %get3A_162 = arith.index_cast %add3A_161 : i32 to index
        %get3A_163 = tpu.vector_load %arg10[%get3A_162] {strides = array<i32>} : memref<32768xf32, #tpu.memory_space<vmem>>, vector<16xf32>,
        %mul3A_164 = arith.mulf %mul3A_151, %get3A_163 : vector<16xf32>
        %add3A_165 = arith.addf %add3A_150, %mul3A_164 : vector<16xf32>
        %mul3A_166 = arith.mulf %mul3A_56, %get3A_44 : vector<16xf32>
        %add3A_167 = arith.constant 7168 : i32
        %add3A_168 = arith.addi %add3A_167, %mul3A_32 : i32
        %add3A_169 = arith.constant 16384 : i32
        %add3A_170 = arith.addi %add3A_169, %add3A_168 : i32
        %get3A_171 = arith.index_cast %add3A_170 : i32 to index
        %get3A_172 = tpu.vector_load %arg10[%get3A_171] {strides = array<i32>} : memref<32768xf32, #tpu.memory_space<vmem>>, vector<16xf32>,
        %mul3A_173 = arith.mulf %mul3A_166, %get3A_172 : vector<16xf32>
        %add3A_174 = arith.addf %add3A_159, %mul3A_173 : vector<16xf32>
        %add3A_175 = arith.constant 24576 : i32
        %add3A_176 = arith.addi %add3A_175, %add3A_168 : i32
        %get3A_177 = arith.index_cast %add3A_176 : i32 to index
        %get3A_178 = tpu.vector_load %arg10[%get3A_177] {strides = array<i32>} : memref<32768xf32, #tpu.memory_space<vmem>>, vector<16xf32>,
        %mul3A_179 = arith.mulf %mul3A_166, %get3A_178 : vector<16xf32>
        %add3A_180 = arith.addf %add3A_165, %mul3A_179 : vector<16xf32>
        %add3A_181 = vector.broadcast %mul3A_32 : i32 to vector<16xi32>
        %add3A_182 = arith.addi %add3A_181, %iota3A : vector<16xi32>
        tpu.vector_store_idx %arg11[%add3A_182, %broadcast_in_dim3A_23], %add3A_174 : memref<1024x32xf32, #tpu.memory_space<vmem>>[vector<16xi32>, vector<16xi32>], vector<16xf32>,
        %add3A_183 = arith.constant 1 : i32
        %add3A_184 = vector.broadcast %add3A_183 : i32 to vector<16xi32>
        %add3A_185 = arith.addi %broadcast_in_dim3A_23, %add3A_184 : vector<16xi32>
        tpu.vector_store_idx %arg11[%add3A_182, %add3A_185], %add3A_180 : memref<1024x32xf32, #tpu.memory_space<vmem>>[vector<16xi32>, vector<16xi32>], vector<16xf32>,
      }
      %scan3A_28 = arith.constant 64 : i32
      %add3A_29 = arith.addi %mul3A_2, %mul3A_11 : i32
      "tpu.region"() ({
        %run_scoped3A = tpu.sem_alloc : memref<!tpu.dma_semaphore, #tpu.memory_space<semaphore_mem>>
        %dma_start3A = arith.constant 0 : i32
        %dma_start3A_30 = tpu.memref_slice %arg5[%add3A_29, %dma_start3A] : memref<65536x32xf32, #tpu.memory_space<hbm>> -> memref<1024x32xf32, #tpu.memory_space<hbm>>
        %dma_start3A_31 = arith.constant 0 : i32
        %dma_start3A_32 = tpu.memref_slice %arg5[%add3A_29, %dma_start3A_31] : memref<65536x32xf32, #tpu.memory_space<hbm>> -> memref<1024x32xf32, #tpu.memory_space<hbm>>
        tpu.enqueue_dma source(%arg11 : memref<1024x32xf32, #tpu.memory_space<vmem>>) target(%dma_start3A_32 : memref<1024x32xf32, #tpu.memory_space<hbm>>) target_semaphore(%run_scoped3A : memref<!tpu.dma_semaphore, #tpu.memory_space<semaphore_mem>>)
        %dma_wait3A = arith.constant 0 : i32
        %dma_wait3A_33 = tpu.memref_slice %arg5[%add3A_29, %dma_wait3A] : memref<65536x32xf32, #tpu.memory_space<hbm>> -> memref<1024x32xf32, #tpu.memory_space<hbm>>
        %dma_wait3A_34 = arith.constant 0 : i32
        %dma_wait3A_35 = tpu.memref_slice %arg5[%add3A_29, %dma_wait3A_34] : memref<65536x32xf32, #tpu.memory_space<hbm>> -> memref<1024x32xf32, #tpu.memory_space<hbm>>
        tpu.wait_dma2 semaphore(%run_scoped3A : memref<!tpu.dma_semaphore, #tpu.memory_space<semaphore_mem>>) src(%arg11 : memref<1024x32xf32, #tpu.memory_space<vmem>>) dst(%dma_wait3A_35 : memref<1024x32xf32, #tpu.memory_space<hbm>>)
        tpu.yield
      }) : () -> ()
    }
    %scan3A_8 = arith.constant 2 : i32
    return
  }
}

</mosaic_0001>

<sc_bundles>
// kernel: kernel.3.cloned.1.call-start
scs
__scs_entry_jumppad:
0x0: {  	(pc) =	sbr.rel $0x88, $3  }
0x1: {  	(tag) =	ssettag $0x0;
	lr =	simm.s32 $0x1  }
0x2: {  	[smem:$0x3F9F] =	sst lr;
	_ =	strace $0xD0000000  }
0x3: {  	_ = 	snop  }
0x4: {  	_ = 	snop  }
0x5: {  	_ = 	snop  }
0x6: {  	_ = 	snop  }
0x7: {  	_ = 	snop  }
__scs_overlays_trampoline_lowered:
0x8: {  	[smem:$0x3FAE] =	sst s0  }
0x9: {  	[smem:$0x3FAF] =	sst s1  }
0xa: {  	[smem:$0x3FB0] =	sst s2  }
0xb: {  	[smem:$0x3FB1] =	sst s3  }
0xc: {  	[smem:$0x3FB2] =	sst s4  }
0xd: {  	[smem:$0x3FB3] =	sst s5  }
0xe: {  	[smem:$0x3FB4] =	sst s6  }
0xf: {  	[smem:$0x3FB5] =	sst s7  }
0x10: {  	[smem:$0x3FB6] =	sst s8  }
0x11: {  	[smem:$0x3FB7] =	sst s9;
	s0 =	simm.s32 @!p0 $0x0  }
0x12: {  	s1 =	sld [smem:$0x3F9D];
	s0 =	simm.s32 @p0 $0x1  }
0x13: {  	[smem:$0x3FB8] =	sst s0;
	s0 =	simm.s32 @!p1 $0x0  }
0x14: {  	s2 =	sld [smem:$0x3F9C];
	s0 =	simm.s32 @p1 $0x1  }
0x15: {  	[smem:$0x3FB9] =	sst s0;
	s0 =	simm.s32 @!p2 $0x0  }
0x16: {  	s3 =	sld [smem:$0x3FDB];
	s0 =	simm.s32 @p2 $0x1  }
0x17: {  	s4 =	simm.s32 $0x1BF5;
	[smem:$0x3FBB] =	sst s0  }
0x18: {  	s0 =	sld [smem:$0x3F9E];
	_ =	swait.ge [sflag:s4], $0x0  }
0x19: {  	s7 =	sld [smem:$0x3F9F]  }
0x1a: {  	s8 =	sadd.s32 $0xFFFFE003, lr  }
0x1b: {  	s9 =	sadd.s32 $0xFFFFFEF7, lr;
	s5 =	simm.s32 $0xFFFFFFFF;
	p2 =	slt.u32 s8, $0xFFFFF086  }
0x1c: {  	p1 =	slt.u32 s9, $0xF7A;
	s5 =	simm.s32 @!p2 $0x0  }
0x1d: {  	s5 =	simm.s32 @p1 $0x1;
	p0 =	seq.s32 s7, s2  }
0x1e: {  	s7 =	smul.u32 @!p0 $0xF7A, s2;
	p2 =	seq.s32 @!p0 s5, $0x0  }
0x1f: {  	s9 =	smul.u32 $0xF7A, s1;
	s8 =	simm.s32 @!p0 $0x1BF5;
	p2 =	por !p2, p0  }
0x20: {  	[sflag:s8] =	ssyncset.s32 @!p0 $0xFFFFF086;
	s6 =	sadd.s32 @!p0 s3, s7;
	s7 =	simm.s32 @!p0 $0x108  }
0x21: {  	s3 =	sadd.s32 s3, s9;
	s6 =	sadd.s32 @!p0 $0x88, s6;
	s7 =	simm.s32 @p2 $0x1082  }
0x22: {  	[simem:s7], [sflag:s8] =	dma.local @!p0 [hbm:s6], $0xF7A  }
0x23: {  	s9 =	sor.u32 $0xD0000000, s2;
	s6 =	simm.s32 $0x108;
	_ =	swait.ge @!p0 [sflag:s8], $0x0  }
0x24: {  	s3 =	sadd.s32 $0x88, s3;
	s6 =	simm.s32 @!p1 $0x1082;
	[sflag:s4] =	ssyncset.s32 $0xFFFFF086  }
0x25: {  	[simem:s6], [sflag:s4] =	dma.local [hbm:s3], $0xF7A  }
0x26: {  	[smem:$0x3F9F] =	sst s1;
	(tag) =	ssettag s2;
	_ =	strace s9  }
0x27: {  	s1 =	sld [smem:$0x3FAF]  }
0x28: {  	s2 =	sld [smem:$0x3FB0]  }
0x29: {  	s4 =	sld [smem:$0x3FB2]  }
0x2a: {  	p0 =	seq.s32 s5, $0x0;
	s5 =	sld [smem:$0x3FB3]  }
0x2b: {  	s6 =	sld [smem:$0x3FB4]  }
0x2c: {  	s7 =	sld [smem:$0x3FB5]  }
0x2d: {  	s3 =	simm.s32 $0x108;
	s8 =	sld [smem:$0x3FB6]  }
0x2e: {  	s3 =	simm.s32 @!p0 $0x1082;
	s9 =	sld [smem:$0x3FB7]  }
0x2f: {  	lr =	sadd.s32 s0, s3;
	s0 =	sld [smem:$0x3FAE]  }
0x30: {  	s3 =	sld [smem:$0x3FB1]  }
0x31: {  	[smem:$0x3FBA] =	sst s10  }
0x32: {  	s10 =	sld [smem:$0x3FB8];
	_ =	sdelay $0x3  }
0x33: {  	p0 =	seq.s32 s10, $0x1;
	s10 =	sld [smem:$0x3FBA];
	_ =	sdelay $0x3  }
0x34: {  	[smem:$0x3FBA] =	sst s10  }
0x35: {  	s10 =	sld [smem:$0x3FB9];
	_ =	sdelay $0x3  }
0x36: {  	p1 =	seq.s32 s10, $0x1;
	s10 =	sld [smem:$0x3FBA];
	_ =	sdelay $0x3  }
0x37: {  	[smem:$0x3FBA] =	sst s10  }
0x38: {  	s10 =	sld [smem:$0x3FBB]  }
0x39: {  	_ = 	snop;
	(pc) =	sbr.ind lr, $3  }
0x3a: {  	_ = 	snop  }
0x3b: {  	_ = 	snop  }
0x3c: {  	p2 =	seq.s32 s10, $0x1;
	s10 =	sld [smem:$0x3FBA]  }
0x3d: {  	_ =	shalt  }
0x3e: {  	_ =	shalt  }
0x3f: {  	_ =	shalt  }
0x40: {  	_ =	shalt  }
0x41: {  	_ =	shalt  }
0x42: {  	_ =	shalt  }
0x43: {  	_ =	shalt  }
0x44: {  	_ =	shalt  }
0x45: {  	_ =	shalt  }
0x46: {  	_ =	shalt  }
0x47: {  	_ =	shalt  }
0x48: {  	_ =	shalt  }
0x49: {  	_ =	shalt  }
0x4a: {  	_ =	shalt  }
0x4b: {  	_ =	shalt  }
0x4c: {  	_ =	shalt  }
0x4d: {  	_ =	shalt  }
0x4e: {  	_ =	shalt  }
0x4f: {  	_ =	shalt  }
0x50: {  	_ =	shalt  }
0x51: {  	_ =	shalt  }
0x52: {  	_ =	shalt  }
0x53: {  	_ =	shalt  }
0x54: {  	_ =	shalt  }
0x55: {  	_ =	shalt  }
0x56: {  	_ =	shalt  }
0x57: {  	_ =	shalt  }
0x58: {  	_ =	shalt  }
0x59: {  	_ =	shalt  }
0x5a: {  	_ =	shalt  }
0x5b: {  	_ =	shalt  }
0x5c: {  	_ =	shalt  }
0x5d: {  	_ =	shalt  }
0x5e: {  	_ =	shalt  }
0x5f: {  	_ =	shalt  }
0x60: {  	_ =	shalt  }
0x61: {  	_ =	shalt  }
0x62: {  	_ =	shalt  }
0x63: {  	_ =	shalt  }
0x64: {  	_ =	shalt  }
0x65: {  	_ =	shalt  }
0x66: {  	_ =	shalt  }
0x67: {  	_ =	shalt  }
0x68: {  	_ =	shalt  }
0x69: {  	_ =	shalt  }
0x6a: {  	_ =	shalt  }
0x6b: {  	_ =	shalt  }
0x6c: {  	_ =	shalt  }
0x6d: {  	_ =	shalt  }
0x6e: {  	_ =	shalt  }
0x6f: {  	_ =	shalt  }
0x70: {  	_ =	shalt  }
0x71: {  	_ =	shalt  }
0x72: {  	_ =	shalt  }
0x73: {  	_ =	shalt  }
0x74: {  	_ =	shalt  }
0x75: {  	_ =	shalt  }
0x76: {  	_ =	shalt  }
0x77: {  	_ =	shalt  }
0x78: {  	_ =	shalt  }
0x79: {  	_ =	shalt  }
0x7a: {  	_ =	shalt  }
0x7b: {  	_ =	shalt  }
0x7c: {  	_ =	shalt  }
0x7d: {  	_ =	shalt  }
0x7e: {  	_ =	shalt  }
0x7f: {  	_ =	shalt  }
0x80: {  	_ =	shalt  }
0x81: {  	_ =	shalt  }
0x82: {  	_ =	shalt  }
0x83: {  	_ =	shalt  }
0x84: {  	_ =	shalt  }
0x85: {  	_ =	shalt  }
0x86: {  	_ =	shalt  }
0x87: {  	_ =	shalt  }
.Lfunc_end0:
.L_simem_size_0:
called_computation_lowered:
.L_overlay_start_0:
0x88: {  	s2 =	sld [smem:$0x3FD9]  }
0x89: {  	s3 =	sld [smem:$0x3FFE];
	_ =	sdelay $0x1  }
0x8a: {  	s1 =	srdreg.scid  }
0x8b: {  	s0 =	sand.u32 $0x1, s1  }
0x8c: {  	s17 =	sshll.u32 s0, $0xA;
	s2 =	sadd.s32 s3, s2  }
0x8d: {  	s2 =	sadd.s32 s2, s17  }
0x8e: {  	[smem:$0x3FC6] =	sst s2  }
0x8f: {  	_ = 	snop  }
0x90: {  	s2 =	sld [smem:$0x3FC8]  }
0x91: {  	s18 =	sld [smem:$0x3FD0];
	(tm) =	ssettm $0x1  }
0x92: {  	s4 =	sld [smem:$0x3FFB];
	_ =	sdelay $0x3  }
0x93: {  	_ =	strace s4  }
0x94: {  	s4 =	sld [smem:$0x3FFC];
	_ =	sdelay $0x3  }
0x95: {  	_ =	strace s4  }
0x96: {  	s4 =	sld [smem:$0x3FFD];
	_ =	sdelay $0x3  }
0x97: {  	_ =	strace s4  }
0x98: {  	_ =	strace $0x8FFFFFFF  }
0x99: {  	s19 =	sld [smem:$0x3FDB];
	_ =	sdelay $0x1  }
0x9a: {  	s5 =	simm.s32 $_scs_section_size  }
0x9b: {  	s6 =	simm.s32 $_size__tile_overlayer_lowered;
	s7 =	simm.s32 $_tile_overlayer_lowered  }
0x9c: {  	s22 =	simm.s32 $0x1BFF;
	s21 =	sshll.u32 s7, $0x1;
	s4 =	sadd.s32 s5, s19  }
0x9d: {  	s8 =	simm.s32 $0x0;
	s20 =	sshll.u32 s6, $0x1;
	s6 =	sadd.s32 s21, s4  }
0x9e: {  	[timem:s8], [sflag:s22] =	dma.local [hbm:s6], s20  }
0x9f: {  	_ =	swait.ge [sflag:s22], s20  }
0xa0: {  	s5 =	ssub.s32 $0x0, s20;
	[sflag:s22] =	ssyncset.done $0x0  }
0xa1: {  	[sflag:s22] =	ssyncadd.s32 s5;
	_ =	sdelay $0x1  }
0xa2: {  	s23 =	simm.s32 $0x1B8B  }
0xa3: {  	_ =	swait.ge [sflag:s23], $0x1  }
0xa4: {  	[sflag:s23] =	ssyncset.done $0x0  }
0xa5: {  	s25 =	simm.s32 $0x1B8E;
	s24 =	sld [smem:$0x3FFE];
	[sflag:s23] =	ssyncadd.s32 $0xFFFFFFFF  }
0xa6: {  	s26 =	simm.s32 $execute0_lowered;
	[smem:$0x3FD2] =	sst s25  }
0xa7: {  	s6 =	sshll.u32 s26, $0x1;
	_ =	strace $0x80000046;
	[dreg:$0x1] =	wrdreg $0xFFFFFFFF  }
0xa8: {  	s28 =	simm.s32 $_size_execute0_lowered;
	s4 =	sadd.s32 s4, s6;
	[dreg:$0x0] =	wrdreg $0x0  }
0xa9: {  	s6 =	sshll.u32 s28, $0x1;
	[dreg:$0x2] =	wrdreg s4  }
0xaa: {  	[dreg:$0x3] =	wrdreg s6  }
0xab: {  	[dreg:$0x4] =	wrdreg $0xC0  }
0xac: {  	_ =	task [dreg:s8], $0x5FFFF  }
0xad: {  	[dreg:$0x1] =	wrdreg $0xFFFFFFFF  }
0xae: {  	[dreg:$0x0] =	wrdreg $0x60  }
0xaf: {  	[dreg:$0x2] =	wrdreg s24  }
0xb0: {  	[dreg:$0x3] =	wrdreg s2  }
0xb1: {  	[dreg:$0x4] =	wrdreg s18  }
0xb2: {  	[dreg:$0x5] =	wrdreg $0x9  }
0xb3: {  	_ =	task.clear_ibuf [dreg:s8], $0x6FFFF;
	_ =	strace $0x90000046  }
0xb4: {  	s29 =	simm.s32 $0x9;
	_ =	strace $0x80000048  }
0xb5: {  	_ =	swait.ge [sflag:s29], $0x1  }
0xb6: {  	[sflag:s29] =	ssyncadd.s32 $0xFFFFFFFF  }
0xb7: {  	_ =	strace $0x90000048  }
0xb8: {  	_ =	sfence  }
0xb9: {  	s30 =	sld [smem:$0x0];
	_ =	sdelay $0x2  }
0xba: {  	s31 =	sshll.u32 s1, $0xD;
	s1 =	sshrl.u32 s1, $0x2  }
0xbb: {  	s3 =	sand.u32 $0x4000, s31;
	s1 =	sadd.s32 s1, s30  }
0xbc: {  	s0 =	sor.u32 s3, s0;
	s1 =	sshll.u32 s1, $0x11  }
0xbd: {  	s0 =	sor.u32 s1, s0  }
0xbe: {  	s0 =	sadd.s32 $0x8F2B, s0  }
0xbf: {  	[sflag:s0] =	ssyncadd.remote.s32 $0x1  }
0xc0: {  	_ =	sfence.sel $0xFFFF  }
0xc1: {  	[dreg:$0x0] =	wrdreg $0xFFFFFFFF;
	(pc) =	sbr.abs _section_cstart, $3  }
0xc2: {  	[dreg:$0x1] =	wrdreg $0xFFFFFFFF  }
0xc3: {  	_ =	task.clear_ibuf [dreg:s8], $0x2FFFF;
	_ =	strace $0x9FFFFFFF  }
0xc4: {  	(tm) =	ssettm $0x7FFFFFFF  }
0xc5: {  	_ =	shalt  }
tec
execute0_lowered:
.L_overlay_start_1:
0x0: {  	(tag) =	ssettag $0x1  }
0x1: {  	s4 =	rddreg [dreg:$0x0];
	s1 =	srdreg.scid  }
0x2: {  	s0 =	stileid.u32;
	s2 =	rddreg [dreg:$0x1]  }
0x3: {  	s6 =	rddreg [dreg:$0x2];
	s3 =	simm.s32 $0x0;
	s10 =	simm.s32 $0x1  }
0x4: {  	s11 =	simm.s32 $0x4000;
	s12 =	simm.s32 $0x13100;
	s13 =	simm.s32 $0x0  }
0x5: {  	s5 =	sand.u32 $0x1, s1;
	s31 =	sshll.u32 s0, $0x1;
	s1 =	rddreg [dreg:$0x3]  }
0x6: {  	[smem:$0x7FF] =	sst s3;
	s7 =	sor.u32 s5, s31;
	s5 =	ssub.s32 $0x2, s5  }
0x7: {  	v3 =	vlaneseq.u32;
	s8 =	smul.u32 $0x300, s7;
	s9 =	sshrl.u32 s5, $0x1;
	s7 =	sshll.u32 s7, $0xD  }
0x8: {  	v0 =	vmul.u32 $0x3, v3;
	_ =	strace $0x80000047;
	s9 =	ssub.s32 s5, s9;
	s6 =	sadd.s32 s6, s7  }
0x9: {  	s8 =	sadd.s32 s8, s4;
	s4 =	sadd.s32 $0x400, s4;
	s7 =	smax.u32 s9, $0x1  }
0xa: {  	v3 =	vmul.u32 $0x20, v3;
	v1 =	vadd.s32 $0x1, v0;
	v2 =	vadd.s32 $0x2, v0;
	s9 =	simm.s32 $0x3000;
	s5 =	sadd.s32 $0x100600, s8;
	s8 =	simm.s32 $0x2  }
.LBB2_1:
0xb: {  	[tilespmem:s3], [sflag:$0x2] =	stream.linear.gather [hbm4b:s5+s3], $0x1800, $0x38;
	[tilespmem:$0x1B100] =	vst v63  }
0xc: {  	_ =	swait.ge [sflag:s8], $0x1800  }
0xd: {  	[sflag:s8] =	ssyncset.done $0x0  }
0xe: {  	[sflag:s8] =	ssyncadd.s32 $0xFFFFE800  }
0xf: {  	[tilespmem:s9], [sflag:$0x2] =	stream.linear.gather [hbm4b:s4+s3], $0x100, $0x38;
	[tilespmem:$0x1B100] =	vst v63  }
0x10: {  	_ =	swait.ge [sflag:s8], $0x100  }
0x11: {  	[sflag:s8] =	ssyncset.done $0x0  }
0x12: {  	p1 =	por $0x1, $0x1;
	s14 =	simm.s32 $0x0;
	[sflag:s8] =	ssyncadd.s32 $0xFFFFFF00  }
.LBB2_2:
0x13: {  	s15 =	sshll.u32 s14, $0xA  }
0x14: {  	v4 =	vmov s15  }
0x15: {  	v4 =	vmul.u32 $0x3, v4;
	_ =	sdelay $0x1  }
0x16: {  	v6 =	vbroadcast v4, $0x0;
	_ =	sdelay $0x1  }
0x17: {  	v4 =	vadd.s32 v2, v6  }
0x18: {  	v5 =	vadd.s32 v1, v6  }
0x19: {  	v6 =	vadd.s32 v0, v6;
	_ =	sdelay $0x1  }
0x1a: {  	s16 =	simm.s32 $0x0;
	v7 =	vld [tilespmem:$0x3000]  }
0x1b: {  	v8 =	vld.idx.msk [tilespmem:v4+s16+$0x0], $0xffff  }
0x1c: {  	v9 =	vld.idx.msk [tilespmem:v5+s16+$0x0], $0xffff  }
0x1d: {  	v11 =	vld.idx.msk [tilespmem:v6+s16+$0x0], $0xffff;
	_ =	sdelay $0x2  }
0x1e: {  	v10 =	vmul.f32 v8, v7  }
0x1f: {  	v9 =	vmul.f32 v9, v7  }
0x20: {  	p0 =	por p1, p1;
	v8 =	vmul.f32 v11, v7;
	v11 =	vtrunc.f32 v10  }
0x21: {  	s18 =	simm.s32 $0x40;
	s17 =	simm.s32 $0x0;
	s19 =	smov.u32 s15;
	v12 =	vtrunc.f32 v9;
	v11 =	vcvt.f32.s32 v11  }
.LBB2_3:
0x22: {  	p1 =	sne.s32 s18, $0xFC0  }
0x23: {  	v13 =	vtrunc.f32 v8;
	v12 =	vcvt.f32.s32 v12;
	s19 =	sadd.s32 $0x10, s19;
	s21 =	smov.u32 s18;
	s18 =	sadd.s32 $0x40, s18  }
0x24: {  	v13 =	vcvt.f32.s32 v13;
	v14 =	vcvt.s32.f32 v11  }
0x25: {  	v11 =	vmul.u32 $0x30025795, v11;
	v15 =	vcvt.s32.f32 v12;
	v12 =	vmul.u32 $0x9E3779B1, v12  }
0x26: {  	v16 =	vcvt.s32.f32 v13;
	v10 =	vsub.f32 v10, v14;
	v14 =	vadd.s32 $0x1, v13  }
0x27: {  	s20 =	sshra.s32 s17, $0x2;
	s17 =	smov.u32 s21;
	v17 =	vadd.s32 $0x30025795, v11;
	v9 =	vsub.f32 v9, v15;
	v15 =	vadd.s32 $0x9E3779B1, v12  }
0x28: {  	[tilespmem:s20+$0x2000] =	vst v10;
	v10 =	vxor.u32 v13, v12;
	v13 =	vxor.u32 v13, v15;
	v15 =	vxor.u32 v14, v15  }
0x29: {  	[tilespmem:s20+$0x1C00] =	vst v9;
	v9 =	vxor.u32 v11, v13;
	v13 =	vxor.u32 v17, v13;
	v18 =	vxor.u32 v11, v15  }
0x2a: {  	v19 =	vshll.u32 v9, $0x1;
	v20 =	vshll.u32 v13, $0x1;
	v13 =	vand.u32 $0x7F, v13  }
0x2b: {  	v9 =	vand.u32 $0x7F, v9;
	v19 =	vand.u32 $0xFFF00, v19;
	v20 =	vand.u32 $0xFFF00, v20  }
0x2c: {  	v21 =	vmov s19;
	v9 =	vor.u32 v9, v19;
	v13 =	vor.u32 v13, v20  }
0x2d: {  	v19 =	vmul.u32 $0x3, v21;
	[tilespmem:s20+$0x3900] =	vst v9;
	v9 =	vor.u32 $0x80, v9;
	v20 =	vor.u32 $0x80, v13  }
0x2e: {  	v15 =	vxor.u32 v17, v15;
	v21 =	vxor.u32 v11, v10;
	[tilespmem:s20+$0x5900] =	vst v9;
	v9 =	vshll.u32 v18, $0x1  }
0x2f: {  	v19 =	vbroadcast v19, $0x0;
	[tilespmem:s20+$0x5D00] =	vst v20;
	v9 =	vand.u32 $0xFFF00, v9;
	v20 =	vshll.u32 v15, $0x1  }
0x30: {  	v10 =	vxor.u32 v10, v17;
	v15 =	vand.u32 $0x7F, v15;
	[tilespmem:s20+$0x3D00] =	vst v13;
	v13 =	vand.u32 $0xFFF00, v20  }
0x31: {  	v18 =	vand.u32 $0x7F, v18;
	v20 =	vadd.s32 v1, v19;
	v22 =	vadd.s32 v2, v19  }
0x32: {  	v23 =	vshll.u32 v21, $0x1;
	v9 =	vor.u32 v18, v9;
	v13 =	vor.u32 v15, v13  }
0x33: {  	v8 =	vsub.f32 v8, v16;
	v15 =	vadd.s32 v0, v19;
	[tilespmem:s20+$0x4D00] =	vst v13;
	v13 =	vor.u32 $0x80, v13  }
0x34: {  	v16 =	vand.u32 $0xFFF00, v23;
	v18 =	vand.u32 $0x7F, v21;
	v19 =	vor.u32 $0x80, v9;
	[tilespmem:s20+$0x6D00] =	vst v13  }
0x35: {  	v12 =	vxor.u32 v14, v12;
	[tilespmem:s20+$0x1800] =	vst v8;
	v8 =	vor.u32 v18, v16  }
0x36: {  	v11 =	vxor.u32 v11, v12;
	v12 =	vxor.u32 v12, v17;
	v13 =	vor.u32 $0x80, v8;
	[tilespmem:s20+$0x6900] =	vst v19  }
0x37: {  	v14 =	vshll.u32 v12, $0x1;
	v12 =	vand.u32 $0x7F, v12;
	[tilespmem:s20+$0x3100] =	vst v8;
	v8 =	vshll.u32 v11, $0x1  }
0x38: {  	v11 =	vand.u32 $0x7F, v11;
	[tilespmem:s20+$0x5100] =	vst v13;
	v8 =	vand.u32 $0xFFF00, v8;
	v13 =	vand.u32 $0xFFF00, v14  }
0x39: {  	v14 =	vshll.u32 v10, $0x1;
	v8 =	vor.u32 v11, v8;
	v11 =	vor.u32 v12, v13;
	[tilespmem:s20+$0x4900] =	vst v9  }
0x3a: {  	v10 =	vand.u32 $0x7F, v10;
	v9 =	vand.u32 $0xFFF00, v14;
	[tilespmem:s20+$0x4100] =	vst v8;
	v8 =	vor.u32 $0x80, v8  }
0x3b: {  	v9 =	vor.u32 v10, v9;
	v10 =	vor.u32 $0x80, v11;
	[tilespmem:s20+$0x4500] =	vst v11  }
0x3c: {  	[tilespmem:s20+$0x3500] =	vst v9;
	v9 =	vor.u32 $0x80, v9  }
0x3d: {  	[tilespmem:s20+$0x5500] =	vst v9  }
0x3e: {  	[tilespmem:s20+$0x6100] =	vst v8  }
0x3f: {  	[tilespmem:s20+$0x6500] =	vst v10  }
0x40: {  	v8 =	vld.idx.msk [tilespmem:v22+s16+$0x0], $0xffff  }
0x41: {  	v9 =	vld.idx.msk [tilespmem:v20+s16+$0x0], $0xffff  }
0x42: {  	v11 =	vld.idx.msk [tilespmem:v15+s16+$0x0], $0xffff;
	_ =	sdelay $0x2  }
.Ltmp0:
0x43: {  	(pc) =	sbr.rel @p1 .LBB2_3-.Ltmp0, $4  }
0x44: {  	v10 =	vmul.f32 v8, v7  }
0x45: {  	v9 =	vmul.f32 v9, v7  }
0x46: {  	v8 =	vmul.f32 v11, v7;
	v11 =	vtrunc.f32 v10  }
0x47: {  	v12 =	vtrunc.f32 v9;
	v11 =	vcvt.f32.s32 v11  }
0x48: {  	v7 =	vtrunc.f32 v8;
	v12 =	vcvt.f32.s32 v12  }
0x49: {  	v7 =	vcvt.f32.s32 v7  }
0x4a: {  	v13 =	vcvt.s32.f32 v11;
	v14 =	vmul.u32 $0x9E3779B1, v12  }
0x4b: {  	v41 =	vmul.u32 $0x30025795, v11;
	v12 =	vcvt.s32.f32 v12;
	v15 =	vcvt.s32.f32 v7  }
0x4c: {  	v10 =	vsub.f32 v10, v13;
	v42 =	vadd.s32 $0x1, v7;
	v16 =	vadd.s32 $0x9E3779B1, v14  }
0x4d: {  	v43 =	vadd.s32 $0x30025795, v41;
	v9 =	vsub.f32 v9, v12;
	v17 =	vxor.u32 v7, v16  }
0x4e: {  	v7 =	vxor.u32 v7, v14;
	v16 =	vxor.u32 v42, v16;
	v8 =	vsub.f32 v8, v15  }
0x4f: {  	s17 =	sshra.s32 s17, $0x2;
	v18 =	vxor.u32 v41, v17;
	v17 =	vxor.u32 v43, v17;
	v49 =	vxor.u32 v41, v7  }
0x50: {  	[tilespmem:s17+$0x2000] =	vst v10;
	v7 =	vxor.u32 v7, v43;
	v20 =	vshll.u32 v18, $0x1;
	v44 =	vshll.u32 v17, $0x1  }
0x51: {  	[tilespmem:s17+$0x1C00] =	vst v9;
	v18 =	vand.u32 $0x7F, v18;
	v45 =	vand.u32 $0x7F, v17;
	v20 =	vand.u32 $0xFFF00, v20  }
0x52: {  	[tilespmem:s17+$0x1800] =	vst v8;
	v61 =	vshll.u32 v7, $0x1;
	v10 =	vand.u32 $0xFFF00, v44;
	v46 =	vor.u32 v18, v20  }
0x53: {  	v7 =	vand.u32 $0x7F, v7;
	v62 =	vand.u32 $0xFFF00, v61;
	v9 =	vor.u32 v45, v10;
	[tilespmem:s17+$0x3900] =	vst v46  }
0x54: {  	v19 =	vxor.u32 v41, v16;
	v16 =	vxor.u32 v43, v16;
	v7 =	vor.u32 v7, v62;
	[tilespmem:s17+$0x3D00] =	vst v9  }
0x55: {  	v50 =	vshll.u32 v16, $0x1;
	v51 =	vshll.u32 v19, $0x1;
	v47 =	vor.u32 $0x80, v46;
	[tilespmem:s17+$0x3500] =	vst v7  }
0x56: {  	v16 =	vand.u32 $0x7F, v16;
	v10 =	vand.u32 $0xFFF00, v50;
	v48 =	vor.u32 $0x80, v9;
	[tilespmem:s17+$0x5900] =	vst v47  }
0x57: {  	v52 =	vand.u32 $0x7F, v19;
	v17 =	vand.u32 $0xFFF00, v51;
	v10 =	vor.u32 v16, v10;
	[tilespmem:s17+$0x5D00] =	vst v48  }
0x58: {  	v8 =	vxor.u32 v42, v14;
	v9 =	vor.u32 v52, v17;
	[tilespmem:s17+$0x4D00] =	vst v10  }
0x59: {  	v11 =	vxor.u32 v41, v8;
	v8 =	vxor.u32 v8, v43;
	v7 =	vor.u32 $0x80, v7;
	[tilespmem:s17+$0x4900] =	vst v9  }
0x5a: {  	v53 =	vshll.u32 v49, $0x1;
	v59 =	vshll.u32 v8, $0x1;
	v10 =	vor.u32 $0x80, v10;
	[tilespmem:s17+$0x5500] =	vst v7  }
0x5b: {  	v8 =	vand.u32 $0x7F, v8;
	v60 =	vand.u32 $0xFFF00, v59;
	v56 =	vor.u32 $0x80, v9;
	[tilespmem:s17+$0x6D00] =	vst v10  }
0x5c: {  	v55 =	vand.u32 $0x7F, v49;
	v54 =	vand.u32 $0xFFF00, v53;
	v8 =	vor.u32 v8, v60;
	[tilespmem:s17+$0x6900] =	vst v56  }
0x5d: {  	v10 =	vor.u32 v55, v54;
	[tilespmem:s17+$0x4500] =	vst v8  }
.Ltmp1:
0x5e: {  	v58 =	vshll.u32 v11, $0x1;
	v7 =	vor.u32 $0x80, v8;
	[tilespmem:s17+$0x3100] =	vst v10;
	(pc) =	sbr.rel .LBB2_5-.Ltmp1, $4  }
0x5f: {  	v11 =	vand.u32 $0x7F, v11;
	v57 =	vor.u32 $0x80, v10;
	v10 =	vand.u32 $0xFFF00, v58;
	[tilespmem:s17+$0x6500] =	vst v7  }
0x60: {  	[tilespmem:s17+$0x5100] =	vst v57;
	v10 =	vor.u32 v11, v10  }
0x61: {  	[tilespmem:s17+$0x4100] =	vst v10;
	v63 =	vor.u32 $0x80, v10  }
0x62: {  	p1 =	por $0x1, $0x1;
	[tilespmem:s17+$0x6100] =	vst v63  }
.LBB2_15:
0x63: {  	s16 =	sadd.s32 $0x1, s16  }
0x64: {  	p2 =	sne.s32 s16, $0x10  }
.Ltmp2:
0x65: {  	_ = 	snop;
	(pc) =	sbr.rel @!p2 .LBB2_16-.Ltmp2, $4  }
0x66: {  	_ = 	snop  }
0x67: {  	_ =	swait.ge [sflag:s10], $0x4000  }
0x68: {  	[sflag:s10] =	ssyncset.done $0x0  }
0x69: {  	p1 =	por !p1, !p1;
	[sflag:s10] =	ssyncadd.s32 $0xFFFFC000  }
.LBB2_5:
0x6a: {  	p2 =	seq.s32 s16, $0xF  }
.Ltmp3:
0x6b: {  	_ = 	snop;
	(pc) =	sbr.rel @p2 .LBB2_6-.Ltmp3, $4  }
0x6c: {  	s17 =	sshll.u32 s16, $0xE  }
0x6d: {  	s17 =	sand.u32 $0x4000, s17  }
0x6e: {  	s18 =	sor.u32 $0xB100, s17;
	s17 =	sor.u32 $0x3100, s17  }
0x6f: {  	[tilespmem:s18], [sflag:$0x1] =	stream.indirect.gather [hbm4b:s2+s11], $0x1, s17, s11, $0xb8;
	[tilespmem:$0x1B100] =	vst v63  }
0x70: {  	p2 =	sne.s32 s16, $0x0  }
.Ltmp4:
0x71: {  	s18 =	simm.s32 $0x1;
	(pc) =	sbr.rel @p2 .LBB2_13-.Ltmp4, $3  }
0x72: {  	s18 =	simm.s32 @!p1 $0x0  }
0x73: {  	s17 =	smul.u32 $0x3000, s18;
	_ =	sdelay $0x1  }
0x74: {  	s17 =	sshrl.u32 s17, $0x2  }
0x75: {  	_ =	sdelay $0x2  }
0x76: {  	v8 =	vld [tilespmem:$0x3010]  }
0x77: {  	v7 =	vld.idx.msk [tilespmem:v4+s3+$0x0], $0xffff  }
0x78: {  	v10 =	vld.idx.msk [tilespmem:v5+s3+$0x0], $0xffff  }
0x79: {  	v11 =	vld.idx.msk [tilespmem:v6+s3+$0x0], $0xffff;
	_ =	sdelay $0x2  }
0x7a: {  	v9 =	vmul.f32 v7, v8  }
0x7b: {  	v13 =	vmul.f32 v10, v8  }
0x7c: {  	v10 =	vmul.f32 v11, v8;
	v7 =	vtrunc.f32 v9  }
0x7d: {  	v11 =	vtrunc.f32 v13;
	v12 =	vcvt.f32.s32 v7  }
0x7e: {  	s17 =	sadd.s32 $0x1C00, s17;
	v14 =	vtrunc.f32 v10;
	v15 =	vcvt.f32.s32 v11  }
0x7f: {  	v7 =	vmov s17;
	v14 =	vcvt.f32.s32 v14;
	v11 =	vcvt.s32.f32 v12  }
0x80: {  	s18 =	simm.s32 $0x40;
	s19 =	smov.u32 s15;
	s17 =	simm.s32 $0x0;
	v12 =	vmul.u32 $0x30025795, v12;
	v16 =	vcvt.s32.f32 v15;
	v15 =	vmul.u32 $0x9E3779B1, v15  }
.LBB2_11:
0x81: {  	p2 =	seq.s32 s18, $0xFC0  }
0x82: {  	v17 =	vcvt.s32.f32 v14;
	v18 =	vadd.s32 $0x30025795, v12;
	s19 =	sadd.s32 $0x10, s19;
	s21 =	smov.u32 s18;
	s18 =	sadd.s32 $0x40, s18  }
0x83: {  	v19 =	vadd.s32 $0x1, v14;
	v20 =	vadd.s32 $0x9E3779B1, v15;
	v21 =	vxor.u32 v14, v15  }
0x84: {  	v13 =	vsub.f32 v13, v16;
	v16 =	vxor.u32 v12, v21;
	v14 =	vxor.u32 v14, v20  }
0x85: {  	v15 =	vxor.u32 v19, v15;
	v19 =	vxor.u32 v19, v20;
	v22 =	vshll.u32 v16, $0x1  }
0x86: {  	v20 =	vxor.u32 v12, v14;
	v14 =	vxor.u32 v18, v14;
	v23 =	vxor.u32 v12, v19  }
0x87: {  	v21 =	vxor.u32 v21, v18;
	v24 =	vshll.u32 v14, $0x1;
	v25 =	vand.u32 $0x7F, v23  }
0x88: {  	v12 =	vxor.u32 v12, v15;
	v22 =	vand.u32 $0xFFF00, v22;
	v14 =	vand.u32 $0x7F, v14  }
0x89: {  	v10 =	vsub.f32 v10, v17;
	v17 =	vshll.u32 v12, $0x1;
	v12 =	vand.u32 $0x7F, v12  }
0x8a: {  	s20 =	sshra.s32 s17, $0x2;
	v9 =	vsub.f32 v9, v11;
	s17 =	smov.u32 s21;
	v15 =	vxor.u32 v15, v18;
	v11 =	vand.u32 $0xFFF00, v17  }
0x8b: {  	v17 =	vshll.u32 v15, $0x1;
	[tilespmem:s20+$0x2400] =	vst v10;
	v10 =	vand.u32 $0x7F, v16;
	v16 =	vand.u32 $0xFFF00, v24  }
0x8c: {  	[tilespmem:v7+s20+$0x0 ss:$0x1] =	vst.idx.msk $0xffff, v13;
	v10 =	vor.u32 v22, v10;
	v13 =	vshll.u32 v20, $0x1;
	v14 =	vor.u32 v16, v14  }
0x8d: {  	[tilespmem:v7+s20+$0x400 ss:$0x1] =	vst.idx.msk $0xffff, v9;
	v9 =	vor.u32 $0x100000, v10;
	v10 =	vand.u32 $0x7F, v20;
	v16 =	vor.u32 $0x100000, v14  }
0x8e: {  	v20 =	vmov s19;
	v13 =	vand.u32 $0xFFF00, v13;
	[tilespmem:s20+$0x7100] =	vst v9;
	v9 =	vor.u32 $0x80, v9  }
0x8f: {  	v20 =	vmul.u32 $0x3, v20;
	v10 =	vor.u32 v13, v10;
	[tilespmem:s20+$0x9100] =	vst v9;
	v9 =	vand.u32 $0x7F, v21  }
0x90: {  	v14 =	vor.u32 $0x100080, v14;
	v13 =	vshll.u32 v21, $0x1;
	[tilespmem:s20+$0x7D00] =	vst v16;
	v16 =	vshll.u32 v23, $0x1  }
0x91: {  	v13 =	vand.u32 $0xFFF00, v13;
	v20 =	vbroadcast v20, $0x0;
	[tilespmem:s20+$0x9D00] =	vst v14;
	v14 =	vand.u32 $0xFFF00, v16  }
0x92: {  	v9 =	vor.u32 v13, v9;
	v13 =	vor.u32 $0x100000, v10;
	v14 =	vor.u32 v14, v25  }
0x93: {  	v22 =	vor.u32 $0x100000, v9;
	v16 =	vadd.s32 v1, v20;
	v21 =	vadd.s32 v2, v20;
	[tilespmem:s20+$0x7900] =	vst v13  }
0x94: {  	v11 =	vor.u32 v11, v12;
	v10 =	vor.u32 $0x100080, v10;
	v9 =	vor.u32 $0x100080, v9;
	[tilespmem:s20+$0x7500] =	vst v22  }
0x95: {  	v12 =	vxor.u32 v18, v19;
	[tilespmem:s20+$0x9500] =	vst v9;
	v9 =	vor.u32 $0x100000, v11  }
0x96: {  	[tilespmem:s20+$0x8100] =	vst v9;
	v9 =	vor.u32 $0x100080, v11;
	v11 =	vshll.u32 v12, $0x1;
	v12 =	vand.u32 $0x7F, v12  }
0x97: {  	v13 =	vand.u32 $0x7F, v15;
	v15 =	vor.u32 $0x100000, v14;
	[tilespmem:s20+$0xA100] =	vst v9;
	v9 =	vand.u32 $0xFFF00, v17  }
0x98: {  	v11 =	vand.u32 $0xFFF00, v11;
	v9 =	vor.u32 v9, v13;
	[tilespmem:s20+$0x8900] =	vst v15;
	v13 =	vor.u32 $0x100080, v14  }
0x99: {  	v11 =	vor.u32 v11, v12;
	v14 =	vor.u32 $0x100000, v9;
	v9 =	vor.u32 $0x100080, v9;
	[tilespmem:s20+$0xA900] =	vst v13  }
0x9a: {  	v12 =	vadd.s32 v0, v20;
	[tilespmem:s20+$0x8500] =	vst v14  }
0x9b: {  	[tilespmem:s20+$0xA500] =	vst v9;
	v9 =	vor.u32 $0x100000, v11  }
0x9c: {  	[tilespmem:s20+$0x8D00] =	vst v9;
	v9 =	vor.u32 $0x100080, v11  }
0x9d: {  	[tilespmem:s20+$0xAD00] =	vst v9  }
0x9e: {  	[tilespmem:s20+$0x9900] =	vst v10  }
0x9f: {  	v9 =	vld.idx.msk [tilespmem:v21+s3+$0x0], $0xffff  }
0xa0: {  	v10 =	vld.idx.msk [tilespmem:v16+s3+$0x0], $0xffff  }
0xa1: {  	v11 =	vld.idx.msk [tilespmem:v12+s3+$0x0], $0xffff;
	_ =	sdelay $0x3  }
0xa2: {  	v9 =	vmul.f32 v9, v8  }
0xa3: {  	v13 =	vmul.f32 v10, v8  }
.Ltmp5:
0xa4: {  	v10 =	vmul.f32 v11, v8;
	v11 =	vtrunc.f32 v9;
	(pc) =	sbr.rel @!p2 .LBB2_11-.Ltmp5, $4  }
0xa5: {  	v12 =	vtrunc.f32 v13;
	v15 =	vcvt.f32.s32 v11  }
0xa6: {  	v11 =	vtrunc.f32 v10;
	v17 =	vcvt.f32.s32 v12  }
0xa7: {  	v14 =	vcvt.f32.s32 v11;
	v11 =	vcvt.s32.f32 v15;
	v12 =	vmul.u32 $0x30025795, v15  }
0xa8: {  	v16 =	vcvt.s32.f32 v17;
	v15 =	vmul.u32 $0x9E3779B1, v17  }
0xa9: {  	v8 =	vcvt.s32.f32 v14;
	v17 =	vadd.s32 $0x30025795, v12  }
0xaa: {  	v18 =	vadd.s32 $0x1, v14;
	v9 =	vsub.f32 v9, v11;
	v19 =	vadd.s32 $0x9E3779B1, v15  }
0xab: {  	v20 =	vxor.u32 v14, v15;
	v13 =	vsub.f32 v13, v16;
	v41 =	vxor.u32 v18, v15  }
0xac: {  	v39 =	vxor.u32 v12, v20;
	v40 =	vxor.u32 v14, v19;
	v18 =	vxor.u32 v18, v19  }
0xad: {  	v20 =	vxor.u32 v20, v17;
	v8 =	vsub.f32 v10, v8;
	v44 =	vxor.u32 v12, v41  }
0xae: {  	v21 =	vshll.u32 v39, $0x1;
	v42 =	vxor.u32 v12, v40;
	v14 =	vxor.u32 v17, v40  }
0xaf: {  	s17 =	sshra.s32 s17, $0x2;
	v22 =	vxor.u32 v12, v18;
	v45 =	vshll.u32 v44, $0x1;
	v49 =	vshll.u32 v20, $0x1  }
0xb0: {  	v12 =	vand.u32 $0x7F, v44;
	v21 =	vand.u32 $0xFFF00, v21;
	[tilespmem:s17+$0x2400] =	vst v8;
	v8 =	vand.u32 $0x7F, v39  }
0xb1: {  	v23 =	vshll.u32 v14, $0x1;
	v43 =	vand.u32 $0x7F, v22;
	[tilespmem:v7+s17+$0x0 ss:$0x1] =	vst.idx.msk $0xffff, v13;
	v8 =	vor.u32 v21, v8  }
0xb2: {  	v14 =	vand.u32 $0x7F, v14;
	v46 =	vand.u32 $0xFFF00, v23;
	[tilespmem:v7+s17+$0x400 ss:$0x1] =	vst.idx.msk $0xffff, v9;
	v7 =	vor.u32 $0x100000, v8  }
0xb3: {  	v55 =	vshll.u32 v22, $0x1;
	v14 =	vor.u32 v46, v14;
	[tilespmem:s17+$0x7100] =	vst v7;
	v7 =	vor.u32 $0x80, v7  }
0xb4: {  	v47 =	vshll.u32 v42, $0x1;
	v9 =	vand.u32 $0xFFF00, v55;
	v48 =	vor.u32 $0x100000, v14;
	[tilespmem:s17+$0x9100] =	vst v7  }
0xb5: {  	v51 =	vand.u32 $0xFFF00, v49;
	v9 =	vor.u32 v9, v43;
	v50 =	vor.u32 $0x100080, v14;
	[tilespmem:s17+$0x7D00] =	vst v48  }
0xb6: {  	v13 =	vand.u32 $0xFFF00, v47;
	v8 =	vand.u32 $0x7F, v42;
	v59 =	vor.u32 $0x100000, v9;
	[tilespmem:s17+$0x9D00] =	vst v50  }
0xb7: {  	v8 =	vor.u32 v13, v8;
	v9 =	vor.u32 $0x100080, v9;
	v7 =	vand.u32 $0x7F, v20;
	[tilespmem:s17+$0x8900] =	vst v59  }
0xb8: {  	v11 =	vand.u32 $0xFFF00, v45;
	v52 =	vor.u32 $0x100000, v8;
	[tilespmem:s17+$0xA900] =	vst v9;
	v7 =	vor.u32 v51, v7  }
0xb9: {  	v11 =	vor.u32 v11, v12;
	[tilespmem:s17+$0x7900] =	vst v52;
	v54 =	vor.u32 $0x100000, v7;
	v7 =	vor.u32 $0x100080, v7  }
0xba: {  	v53 =	vxor.u32 v41, v17;
	[tilespmem:s17+$0x9500] =	vst v7;
	v7 =	vor.u32 $0x100000, v11  }
0xbb: {  	v56 =	vshll.u32 v53, $0x1;
	v57 =	vxor.u32 v17, v18;
	[tilespmem:s17+$0x8100] =	vst v7;
	v7 =	vor.u32 $0x100080, v11  }
0xbc: {  	v58 =	vand.u32 $0x7F, v53;
	v8 =	vor.u32 $0x100080, v8;
	[tilespmem:s17+$0xA100] =	vst v7;
	v7 =	vand.u32 $0xFFF00, v56  }
0xbd: {  	v60 =	vshll.u32 v57, $0x1;
	[tilespmem:s17+$0x9900] =	vst v8;
	v7 =	vor.u32 v7, v58  }
.Ltmp6:
0xbe: {  	v10 =	vand.u32 $0x7F, v57;
	v61 =	vand.u32 $0xFFF00, v60;
	[tilespmem:s17+$0x7500] =	vst v54;
	v62 =	vor.u32 $0x100000, v7;
	(pc) =	sbr.rel .LBB2_15-.Ltmp6, $4  }
0xbf: {  	v63 =	vor.u32 v61, v10;
	v7 =	vor.u32 $0x100080, v7;
	[tilespmem:s17+$0x8500] =	vst v62  }
0xc0: {  	[tilespmem:s17+$0xA500] =	vst v7;
	v7 =	vor.u32 $0x100000, v63  }
0xc1: {  	[tilespmem:s17+$0x8D00] =	vst v7;
	v7 =	vor.u32 $0x100080, v63  }
0xc2: {  	[tilespmem:s17+$0xAD00] =	vst v7  }
.LBB2_6:
0xc3: {  	s19 =	simm.s32 $0x2000  }
0xc4: {  	v7 =	vld [tilespmem:s19+$0xFFFFFC00]  }
0xc5: {  	v8 =	vld [tilespmem:s19+$0xFFFFF800];
	_ =	sdelay $0x1  }
0xc6: {  	v9 =	vld [tilespmem:s19+$0x0];
	_ =	sdelay $0x2  }
0xc7: {  	s17 =	simm.s32 $0xD100;
	v10 =	vsub.f32 $1.000000000e+00, v8;
	v11 =	vsub.f32 $1.000000000e+00, v7  }
0xc8: {  	v12 =	vld [tilespmem:s17+$0xFFFFE000]  }
0xc9: {  	v15 =	vld [tilespmem:s17+$0x0];
	v13 =	vsub.f32 $1.000000000e+00, v9;
	v14 =	vmul.f32 v11, v10  }
0xca: {  	v16 =	vld [tilespmem:s17+$0xFFFFE400]  }
0xcb: {  	v18 =	vld [tilespmem:s17+$0x400];
	v17 =	vmul.f32 v13, v14  }
0xcc: {  	v19 =	vld [tilespmem:s17+$0xFFFFE800];
	v10 =	vmul.f32 v7, v10  }
0xcd: {  	v20 =	vld [tilespmem:s17+$0x800];
	v14 =	vmul.f32 v14, v9;
	v12 =	vmul.f32 v17, v12  }
0xce: {  	v47 =	vld [tilespmem:s17+$0xFFFFEC00];
	v15 =	vmul.f32 v15, v17  }
0xcf: {  	v22 =	vld [tilespmem:s17+$0xC00];
	v21 =	vmul.f32 v13, v10;
	v16 =	vmul.f32 v16, v14;
	v12 =	vadd.f32 $0.0e+00, v12  }
0xd0: {  	v48 =	vld [tilespmem:s17+$0xFFFFF000];
	v11 =	vmul.f32 v11, v8;
	v14 =	vmul.f32 v18, v14;
	v15 =	vadd.f32 $0.0e+00, v15  }
0xd1: {  	s18 =	simm.s32 $0x0;
	v50 =	vld [tilespmem:s17+$0x1000];
	v10 =	vmul.f32 v9, v10;
	v49 =	vmul.f32 v19, v21;
	v12 =	vadd.f32 v16, v12  }
0xd2: {  	v52 =	vld [tilespmem:s17+$0xFFFFF400];
	v53 =	vmov s18;
	v51 =	vmul.f32 v20, v21;
	v14 =	vadd.f32 v14, v15  }
0xd3: {  	v23 =	vld [tilespmem:s17+$0x1400];
	v55 =	vmul.f32 v13, v11;
	v54 =	vmul.f32 v47, v10;
	v12 =	vadd.f32 v49, v12  }
0xd4: {  	v56 =	vld [tilespmem:s17+$0xFFFFF800];
	v7 =	vmul.f32 v7, v8;
	v10 =	vmul.f32 v22, v10;
	v8 =	vadd.f32 v51, v14  }
0xd5: {  	v58 =	vld [tilespmem:s17+$0x1800];
	v11 =	vmul.f32 v11, v9;
	v57 =	vmul.f32 v48, v55;
	v12 =	vadd.f32 v54, v12  }
0xd6: {  	v59 =	vld [tilespmem:s17+$0xFFFFFC00];
	v60 =	vshll.u32 v53, $0x5;
	v8 =	vadd.f32 v10, v8;
	v10 =	vmul.f32 v50, v55  }
0xd7: {  	v62 =	vld [tilespmem:s17+$0x1C00];
	v13 =	vmul.f32 v13, v7;
	v61 =	vmul.f32 v52, v11;
	v12 =	vadd.f32 v57, v12  }
0xd8: {  	v7 =	vmul.f32 v9, v7;
	v8 =	vadd.f32 v10, v8;
	v10 =	vmul.f32 v23, v11  }
0xd9: {  	v14 =	vmul.f32 v56, v13;
	v11 =	vor.u32 v3, v60;
	v12 =	vadd.f32 v61, v12  }
0xda: {  	v9 =	vmul.f32 v58, v13;
	v8 =	vadd.f32 v10, v8;
	v10 =	vor.u32 $0x1C, v11  }
0xdb: {  	v63 =	vmul.f32 v59, v7;
	v11 =	vor.u32 $0x1D, v11;
	v12 =	vadd.f32 v14, v12  }
0xdc: {  	v7 =	vmul.f32 v62, v7;
	v8 =	vadd.f32 v9, v8  }
0xdd: {  	v9 =	vadd.f32 v63, v12  }
0xde: {  	v7 =	vadd.f32 v7, v8  }
0xdf: {  	[tilespmem:v10+s12+$0x0] =	vst.idx.msk $0xffff, v9  }
0xe0: {  	s19 =	simm.s32 $0x2010;
	[tilespmem:v11+s12+$0x0] =	vst.idx.msk $0xffff, v7  }
0xe1: {  	v7 =	vld [tilespmem:s19+$0xFFFFFC00]  }
0xe2: {  	v8 =	vld [tilespmem:s19+$0xFFFFF800]  }
0xe3: {  	s20 =	simm.s32 $0x20;
	s18 =	simm.s32 $0x10  }
.LBB2_7:
0xe4: {  	p2 =	sne.s32 s20, $0x3F0;
	v9 =	vld [tilespmem:s19+$0x0];
	_ =	sdelay $0x2  }
0xe5: {  	s17 =	sadd.s32 $0x10, s17;
	v11 =	vsub.f32 $1.000000000e+00, v7;
	v10 =	vsub.f32 $1.000000000e+00, v8  }
0xe6: {  	v12 =	vld [tilespmem:s17+$0xFFFFE000]  }
0xe7: {  	v13 =	vsub.f32 $1.000000000e+00, v9;
	v14 =	vmul.f32 v11, v10;
	v15 =	vld [tilespmem:s17+$0x0]  }
0xe8: {  	v16 =	vld [tilespmem:s17+$0xFFFFE400]  }
0xe9: {  	v17 =	vmul.f32 v13, v14;
	v18 =	vld [tilespmem:s17+$0x400]  }
0xea: {  	v10 =	vmul.f32 v7, v10;
	v19 =	vld [tilespmem:s17+$0xFFFFE800]  }
0xeb: {  	v14 =	vmul.f32 v14, v9;
	v12 =	vmul.f32 v17, v12;
	v20 =	vld [tilespmem:s17+$0x800]  }
0xec: {  	v15 =	vmul.f32 v15, v17;
	v17 =	vld [tilespmem:s17+$0xFFFFEC00]  }
0xed: {  	v21 =	vmul.f32 v13, v10;
	v12 =	vadd.f32 $0.0e+00, v12;
	v16 =	vmul.f32 v16, v14;
	v22 =	vld [tilespmem:s17+$0xC00]  }
0xee: {  	v11 =	vmul.f32 v11, v8;
	v15 =	vadd.f32 $0.0e+00, v15;
	v14 =	vmul.f32 v18, v14;
	v18 =	vld [tilespmem:s17+$0xFFFFF000]  }
0xef: {  	v10 =	vmul.f32 v9, v10;
	v12 =	vadd.f32 v16, v12;
	v16 =	vmul.f32 v19, v21;
	v19 =	vld [tilespmem:s17+$0x1000]  }
0xf0: {  	v14 =	vadd.f32 v14, v15;
	v15 =	vmul.f32 v20, v21;
	v20 =	vld [tilespmem:s17+$0xFFFFF400];
	v21 =	vmov s18;
	s18 =	smov.u32 s20  }
0xf1: {  	v12 =	vadd.f32 v16, v12;
	v16 =	vmul.f32 v17, v10;
	v17 =	vmul.f32 v13, v11;
	v23 =	vld [tilespmem:s17+$0x1400]  }
0xf2: {  	v7 =	vmul.f32 v7, v8;
	v8 =	vadd.f32 v15, v14;
	v10 =	vmul.f32 v22, v10;
	v14 =	vld [tilespmem:s17+$0xFFFFF800]  }
0xf3: {  	v11 =	vmul.f32 v11, v9;
	v12 =	vadd.f32 v16, v12;
	v15 =	vmul.f32 v18, v17;
	v16 =	vld [tilespmem:s17+$0x1800]  }
0xf4: {  	v18 =	vshll.u32 v21, $0x5;
	v8 =	vadd.f32 v10, v8;
	v10 =	vmul.f32 v19, v17;
	v17 =	vld [tilespmem:s17+$0xFFFFFC00]  }
0xf5: {  	v13 =	vmul.f32 v13, v7;
	v12 =	vadd.f32 v15, v12;
	v15 =	vmul.f32 v20, v11;
	v19 =	vld [tilespmem:s17+$0x1C00]  }
0xf6: {  	v8 =	vadd.f32 v10, v8;
	v10 =	vmul.f32 v23, v11;
	v11 =	vor.u32 v3, v18  }
0xf7: {  	v7 =	vmul.f32 v9, v7;
	v12 =	vadd.f32 v15, v12;
	v14 =	vmul.f32 v14, v13  }
0xf8: {  	v8 =	vadd.f32 v10, v8;
	v9 =	vmul.f32 v16, v13;
	v10 =	vor.u32 $0x1C, v11  }
0xf9: {  	v11 =	vor.u32 $0x1D, v11;
	v12 =	vadd.f32 v14, v12;
	v13 =	vmul.f32 v17, v7  }
0xfa: {  	v8 =	vadd.f32 v9, v8;
	v7 =	vmul.f32 v19, v7  }
0xfb: {  	v9 =	vadd.f32 v13, v12  }
0xfc: {  	v7 =	vadd.f32 v7, v8  }
.Ltmp7:
0xfd: {  	[tilespmem:v10+s12+$0x0] =	vst.idx.msk $0xffff, v9;
	(pc) =	sbr.rel @p2 .LBB2_7-.Ltmp7, $4  }
0xfe: {  	s19 =	sadd.s32 $0x10, s19;
	[tilespmem:v11+s12+$0x0] =	vst.idx.msk $0xffff, v7  }
0xff: {  	v7 =	vld [tilespmem:s19+$0xFFFFFC00]  }
0x100: {  	v8 =	vld [tilespmem:s19+$0xFFFFF800]  }
0x101: {  	s20 =	sadd.s32 $0x10, s20  }
0x102: {  	v9 =	vld [tilespmem:s19+$0x0];
	_ =	sdelay $0x2  }
0x103: {  	s17 =	sadd.s32 $0x10, s17;
	v11 =	vsub.f32 $1.000000000e+00, v7;
	v10 =	vsub.f32 $1.000000000e+00, v8  }
0x104: {  	v12 =	vld [tilespmem:s17+$0xFFFFE000]  }
0x105: {  	v15 =	vld [tilespmem:s17+$0x0];
	v13 =	vsub.f32 $1.000000000e+00, v9;
	v14 =	vmul.f32 v11, v10  }
0x106: {  	v16 =	vld [tilespmem:s17+$0xFFFFE400]  }
0x107: {  	v18 =	vld [tilespmem:s17+$0x400];
	v17 =	vmul.f32 v13, v14  }
0x108: {  	v19 =	vld [tilespmem:s17+$0xFFFFE800];
	v10 =	vmul.f32 v7, v10  }
0x109: {  	v20 =	vld [tilespmem:s17+$0x800];
	v14 =	vmul.f32 v14, v9;
	v12 =	vmul.f32 v17, v12  }
0x10a: {  	v41 =	vld [tilespmem:s17+$0xFFFFEC00];
	v15 =	vmul.f32 v15, v17  }
0x10b: {  	v22 =	vld [tilespmem:s17+$0xC00];
	v21 =	vmul.f32 v13, v10;
	v16 =	vmul.f32 v16, v14;
	v12 =	vadd.f32 $0.0e+00, v12  }
0x10c: {  	v42 =	vld [tilespmem:s17+$0xFFFFF000];
	v11 =	vmul.f32 v11, v8;
	v14 =	vmul.f32 v18, v14;
	v15 =	vadd.f32 $0.0e+00, v15  }
0x10d: {  	v44 =	vld [tilespmem:s17+$0x1000];
	v10 =	vmul.f32 v9, v10;
	v43 =	vmul.f32 v19, v21;
	v12 =	vadd.f32 v16, v12  }
0x10e: {  	v47 =	vmov s18;
	v46 =	vld [tilespmem:s17+$0xFFFFF400];
	v45 =	vmul.f32 v20, v21;
	v14 =	vadd.f32 v14, v15  }
0x10f: {  	v23 =	vld [tilespmem:s17+$0x1400];
	v49 =	vmul.f32 v13, v11;
	v48 =	vmul.f32 v41, v10;
	v12 =	vadd.f32 v43, v12  }
0x110: {  	v50 =	vld [tilespmem:s17+$0xFFFFF800];
	v7 =	vmul.f32 v7, v8;
	v10 =	vmul.f32 v22, v10;
	v8 =	vadd.f32 v45, v14  }
0x111: {  	v52 =	vld [tilespmem:s17+$0x1800];
	v11 =	vmul.f32 v11, v9;
	v51 =	vmul.f32 v42, v49;
	v12 =	vadd.f32 v48, v12  }
0x112: {  	v54 =	vld [tilespmem:s17+$0xFFFFFC00];
	v55 =	vshll.u32 v47, $0x5;
	v53 =	vmul.f32 v44, v49;
	v8 =	vadd.f32 v10, v8  }
0x113: {  	v57 =	vld [tilespmem:s17+$0x1C00];
	v13 =	vmul.f32 v13, v7;
	v56 =	vmul.f32 v46, v11;
	v12 =	vadd.f32 v51, v12  }
0x114: {  	v59 =	vor.u32 v3, v55;
	v58 =	vmul.f32 v23, v11;
	v8 =	vadd.f32 v53, v8  }
0x115: {  	v7 =	vmul.f32 v9, v7;
	v14 =	vmul.f32 v50, v13;
	v12 =	vadd.f32 v56, v12  }
0x116: {  	v61 =	vor.u32 $0x1C, v59;
	v60 =	vmul.f32 v52, v13;
	v8 =	vadd.f32 v58, v8  }
0x117: {  	v62 =	vmul.f32 v54, v7;
	v11 =	vor.u32 $0x1D, v59;
	v12 =	vadd.f32 v14, v12  }
.Ltmp8:
0x118: {  	v7 =	vmul.f32 v57, v7;
	v8 =	vadd.f32 v60, v8;
	(pc) =	sbr.rel .LBB2_15-.Ltmp8, $4  }
0x119: {  	v63 =	vadd.f32 v62, v12  }
0x11a: {  	v7 =	vadd.f32 v7, v8  }
0x11b: {  	[tilespmem:v61+s12+$0x0] =	vst.idx.msk $0xffff, v63  }
0x11c: {  	[tilespmem:v11+s12+$0x0] =	vst.idx.msk $0xffff, v7  }
.LBB2_13:
0x11d: {  	s19 =	sshll.u32 s16, $0x1  }
0x11e: {  	s20 =	sadd.s32 $0x1, s16;
	s19 =	sadd.s32 $0xFFFFFFFE, s19  }
0x11f: {  	s21 =	sshll.u32 s20, $0x4;
	s20 =	sshll.u32 s20, $0x14;
	v10 =	vmov s19  }
0x120: {  	s17 =	sor.u32 $0x2000, s17;
	s31 =	sshll.u32 s18, $0xE;
	s21 =	sand.u32 $0x3FFFFFF0, s21;
	v8 =	vmov s20;
	v7 =	vand.u32 $0x6, v10  }
0x121: {  	s18 =	sadd.s32 $0xD100, s31;
	s19 =	sadd.s32 $0x5100, s31;
	s20 =	simm.s32 $0x0;
	v9 =	vld [tilespmem:s21+$0x3000];
	v10 =	vand.u32 $0xFFFFFFF8, v10;
	v12 =	vor.u32 $0x80, v8;
	v11 =	vor.u32 $0x1, v7  }
.LBB2_14:
0x122: {  	v13 =	vld [tilespmem:s17+$0xFFFFF800]  }
0x123: {  	v14 =	vld [tilespmem:s17+$0xFFFFFC00];
	_ =	sdelay $0x1  }
0x124: {  	v15 =	vld [tilespmem:s17+$0x0];
	_ =	sdelay $0x2  }
0x125: {  	v16 =	vsub.f32 $1.000000000e+00, v13;
	v17 =	vsub.f32 $1.000000000e+00, v14  }
0x126: {  	v18 =	vld [tilespmem:s18+$0xFFFFE000]  }
0x127: {  	v21 =	vld [tilespmem:s18+$0x0];
	v19 =	vsub.f32 $1.000000000e+00, v15;
	v20 =	vmul.f32 v17, v16  }
0x128: {  	v22 =	vld [tilespmem:s18+$0xFFFFE400];
	s21 =	sadd.s32 s20, s15  }
0x129: {  	v24 =	vld [tilespmem:s18+$0x400];
	v31 =	vmov s21;
	v23 =	vmul.f32 v19, v20  }
0x12a: {  	v25 =	vld [tilespmem:s18+$0xFFFFE800];
	v33 =	vmul.u32 $0x3, v31;
	v16 =	vmul.f32 v14, v16  }
0x12b: {  	v26 =	vld [tilespmem:s18+$0x800];
	v20 =	vmul.f32 v20, v15;
	v18 =	vmul.f32 v23, v18  }
0x12c: {  	v50 =	vld [tilespmem:s18+$0xFFFFEC00];
	v29 =	vmov s20;
	v34 =	vbroadcast v33, $0x0;
	v21 =	vmul.f32 v21, v23  }
0x12d: {  	v28 =	vld [tilespmem:s18+$0xC00];
	v27 =	vmul.f32 v19, v16;
	v22 =	vmul.f32 v22, v20;
	v18 =	vadd.f32 $0.0e+00, v18  }
0x12e: {  	v51 =	vld [tilespmem:s18+$0xFFFFF000];
	v17 =	vmul.f32 v17, v13;
	v20 =	vmul.f32 v24, v20;
	v21 =	vadd.f32 $0.0e+00, v21  }
0x12f: {  	v53 =	vld [tilespmem:s18+$0x1000];
	v16 =	vmul.f32 v15, v16;
	v52 =	vmul.f32 v25, v27;
	v18 =	vadd.f32 v22, v18  }
0x130: {  	v55 =	vld [tilespmem:s18+$0xFFFFF400];
	v13 =	vmul.f32 v14, v13;
	v54 =	vmul.f32 v26, v27;
	v20 =	vadd.f32 v20, v21  }
0x131: {  	v58 =	vld [tilespmem:s18+$0x1400];
	v57 =	vmul.f32 v19, v17;
	v56 =	vmul.f32 v50, v16;
	v18 =	vadd.f32 v52, v18  }
0x132: {  	v62 =	vld [tilespmem:s18+$0xFFFFF800];
	v17 =	vmul.f32 v17, v15;
	v16 =	vmul.f32 v28, v16;
	v20 =	vadd.f32 v54, v20  }
0x133: {  	v63 =	vld [tilespmem:s18+$0x1800];
	v19 =	vmul.f32 v19, v13;
	v59 =	vmul.f32 v51, v57;
	v18 =	vadd.f32 v56, v18  }
0x134: {  	v13 =	vmul.f32 v15, v13;
	v60 =	vmul.f32 v53, v57;
	v28 =	vld [tilespmem:s18+$0xFFFFFC00];
	v16 =	vadd.f32 v16, v20  }
0x135: {  	v30 =	vld [tilespmem:s18+$0x1C00];
	v61 =	vmul.f32 v55, v17;
	v21 =	vshll.u32 v29, $0x5;
	v18 =	vadd.f32 v59, v18  }
0x136: {  	v17 =	vmul.f32 v58, v17;
	v32 =	vor.u32 v3, v21;
	v14 =	vadd.f32 v60, v16  }
0x137: {  	v23 =	vmul.f32 v62, v19;
	v15 =	vadd.s32 v10, v32;
	v18 =	vadd.f32 v61, v18  }
0x138: {  	v16 =	vmul.f32 v63, v19;
	v14 =	vadd.f32 v17, v14;
	v17 =	vor.u32 v7, v15  }
0x139: {  	v20 =	vmul.f32 v28, v13;
	v15 =	vor.u32 v11, v15;
	v18 =	vadd.f32 v23, v18  }
0x13a: {  	v35 =	vadd.s32 v0, v34;
	v13 =	vmul.f32 v30, v13;
	v14 =	vadd.f32 v16, v14  }
0x13b: {  	v36 =	vadd.s32 v1, v34;
	v18 =	vadd.f32 v20, v18  }
0x13c: {  	v13 =	vadd.f32 v13, v14;
	v14 =	vadd.s32 v2, v34  }
0x13d: {  	[tilespmem:v17+s12+$0x0] =	vst.idx.msk $0xffff, v18  }
0x13e: {  	[tilespmem:v15+s12+$0x0] =	vst.idx.msk $0xffff, v13  }
0x13f: {  	v13 =	vld.idx.msk [tilespmem:v35+s3+$0x0], $0xffff  }
0x140: {  	v15 =	vld.idx.msk [tilespmem:v36+s3+$0x0], $0xffff  }
0x141: {  	v14 =	vld.idx.msk [tilespmem:v14+s3+$0x0], $0xffff;
	_ =	sdelay $0x2  }
0x142: {  	v13 =	vmul.f32 v13, v9  }
0x143: {  	v15 =	vmul.f32 v15, v9  }
0x144: {  	v14 =	vmul.f32 v14, v9;
	v37 =	vtrunc.f32 v13  }
0x145: {  	v38 =	vtrunc.f32 v15;
	v16 =	vcvt.f32.s32 v37  }
0x146: {  	v17 =	vcvt.f32.s32 v38;
	v39 =	vtrunc.f32 v14  }
0x147: {  	v18 =	vcvt.f32.s32 v39;
	v40 =	vcvt.s32.f32 v16  }
0x148: {  	v41 =	vmul.u32 $0x9E3779B1, v17;
	v17 =	vcvt.s32.f32 v17;
	v45 =	vadd.s32 $0x1, v16  }
0x149: {  	v42 =	vcvt.s32.f32 v18;
	v18 =	vmul.u32 $0x30025795, v18;
	v13 =	vsub.f32 v13, v40  }
0x14a: {  	v43 =	vxor.u32 v16, v41;
	v15 =	vsub.f32 v15, v17;
	v48 =	vadd.s32 $0x9E3779B1, v41  }
0x14b: {  	v54 =	vxor.u32 v45, v41;
	v14 =	vsub.f32 v14, v42;
	v44 =	vxor.u32 v18, v43  }
0x14c: {  	v46 =	vadd.s32 $0x30025795, v18;
	v16 =	vxor.u32 v16, v48;
	v56 =	vxor.u32 v18, v54  }
0x14d: {  	v61 =	vxor.u32 v45, v48;
	v47 =	vshll.u32 v44, $0x1;
	v17 =	vand.u32 $0x7F, v44  }
0x14e: {  	v19 =	vxor.u32 v43, v46;
	v50 =	vxor.u32 v18, v16;
	v16 =	vxor.u32 v46, v16  }
0x14f: {  	[tilespmem:s17+$0xFFFFF800] =	vst v13;
	v57 =	vshll.u32 v56, $0x1;
	v62 =	vxor.u32 v18, v61;
	v23 =	vand.u32 $0xFFF00, v47  }
0x150: {  	[tilespmem:s17+$0xFFFFFC00] =	vst v15;
	v49 =	vshll.u32 v19, $0x1;
	v19 =	vand.u32 $0x7F, v19;
	v17 =	vor.u32 v23, v17  }
0x151: {  	v52 =	vshll.u32 v50, $0x1;
	[tilespmem:s17+$0x0] =	vst v14;
	v23 =	vand.u32 $0xFFF00, v49;
	v13 =	vor.u32 v8, v17  }
0x152: {  	v53 =	vshll.u32 v16, $0x1;
	v19 =	vor.u32 v23, v19;
	v15 =	vor.u32 v12, v17;
	[tilespmem:s19+$0xFFFFE000] =	vst v13  }
0x153: {  	v14 =	vand.u32 $0xFFF00, v52;
	v23 =	vand.u32 $0x7F, v50;
	v51 =	vor.u32 v8, v19;
	[tilespmem:s19+$0x0] =	vst v15  }
0x154: {  	v16 =	vand.u32 $0x7F, v16;
	v13 =	vor.u32 v12, v19;
	v14 =	vor.u32 v14, v23;
	[tilespmem:s19+$0xFFFFE400] =	vst v51  }
0x155: {  	v58 =	vand.u32 $0xFFF00, v57;
	v15 =	vand.u32 $0xFFF00, v53;
	v55 =	vor.u32 v8, v14;
	[tilespmem:s19+$0x400] =	vst v13  }
0x156: {  	v18 =	vshll.u32 v62, $0x1;
	v15 =	vor.u32 v15, v16;
	v13 =	vor.u32 v12, v14;
	[tilespmem:s19+$0xFFFFE800] =	vst v55  }
0x157: {  	v19 =	vxor.u32 v54, v46;
	v16 =	vand.u32 $0x7F, v56;
	v14 =	vor.u32 v8, v15;
	[tilespmem:s19+$0x800] =	vst v13  }
0x158: {  	v59 =	vshll.u32 v19, $0x1;
	v13 =	vor.u32 v12, v15;
	v15 =	vor.u32 v58, v16;
	[tilespmem:s19+$0xFFFFEC00] =	vst v14  }
0x159: {  	v60 =	vand.u32 $0x7F, v19;
	v14 =	vand.u32 $0xFFF00, v59;
	[tilespmem:s19+$0xC00] =	vst v13;
	v13 =	vor.u32 v8, v15  }
0x15a: {  	v17 =	vxor.u32 v46, v61;
	v14 =	vor.u32 v14, v60;
	[tilespmem:s19+$0xFFFFF000] =	vst v13;
	v13 =	vor.u32 v12, v15  }
0x15b: {  	v16 =	vand.u32 $0x7F, v62;
	v15 =	vor.u32 v8, v14;
	[tilespmem:s19+$0x1000] =	vst v13;
	v13 =	vand.u32 $0xFFF00, v18  }
0x15c: {  	p2 =	seq.s32 s20, $0x3F0;
	v14 =	vor.u32 v12, v14;
	[tilespmem:s19+$0xFFFFF400] =	vst v15;
	v13 =	vor.u32 v13, v16;
	v15 =	vshll.u32 v17, $0x1  }
.Ltmp9:
0x15d: {  	v63 =	vand.u32 $0x7F, v17;
	[tilespmem:s19+$0x1400] =	vst v14;
	v14 =	vor.u32 v8, v13;
	v15 =	vand.u32 $0xFFF00, v15;
	(pc) =	sbr.rel @!p2 .LBB2_14-.Ltmp9, $4  }
0x15e: {  	v13 =	vor.u32 v12, v13;
	[tilespmem:s19+$0xFFFFF800] =	vst v14;
	v14 =	vor.u32 v15, v63  }
0x15f: {  	[tilespmem:s19+$0x1800] =	vst v13;
	v13 =	vor.u32 v8, v14  }
0x160: {  	s20 =	sadd.s32 $0x10, s20;
	[tilespmem:s19+$0xFFFFFC00] =	vst v13;
	v13 =	vor.u32 v12, v14  }
0x161: {  	s18 =	sadd.s32 $0x10, s18;
	s17 =	sadd.s32 $0x10, s17;
	[tilespmem:s19+$0x1C00] =	vst v13;
	s19 =	sadd.s32 $0x10, s19  }
.Ltmp10:
0x162: {  	_ = 	snop;
	(pc) =	sbr.rel .LBB2_15-.Ltmp10, $1  }
0x163: {  	_ =	sdelay $0x3  }
.LBB2_16:
0x164: {  	s16 =	simm.s32 $0x0  }
0x165: {  	v4 =	vld [tilespmem:s16+$0x2800]  }
0x166: {  	v5 =	vld [tilespmem:s16+$0x2400];
	_ =	sdelay $0x1  }
0x167: {  	v6 =	vld [tilespmem:s16+$0x2C00];
	_ =	sdelay $0x2  }
0x168: {  	v7 =	vsub.f32 $1.000000000e+00, v5;
	v8 =	vsub.f32 $1.000000000e+00, v4  }
0x169: {  	v9 =	vld [tilespmem:s16+$0xF100]  }
0x16a: {  	v12 =	vld [tilespmem:s16+$0x11100];
	v10 =	vsub.f32 $1.000000000e+00, v6;
	v11 =	vmul.f32 v8, v7  }
0x16b: {  	v13 =	vld [tilespmem:s16+$0xF500]  }
0x16c: {  	v15 =	vld [tilespmem:s16+$0x11500];
	v14 =	vmul.f32 v10, v11  }
0x16d: {  	v16 =	vld [tilespmem:s16+$0xF900];
	v7 =	vmul.f32 v4, v7  }
0x16e: {  	v17 =	vld [tilespmem:s16+$0x11900];
	v11 =	vmul.f32 v11, v6;
	v9 =	vmul.f32 v14, v9  }
0x16f: {  	v46 =	vld [tilespmem:s16+$0xFD00];
	v12 =	vmul.f32 v12, v14  }
0x170: {  	v19 =	vld [tilespmem:s16+$0x11D00];
	v18 =	vmul.f32 v10, v7;
	v13 =	vmul.f32 v13, v11;
	v9 =	vadd.f32 $0.0e+00, v9  }
0x171: {  	v47 =	vld [tilespmem:s16+$0x10100];
	v8 =	vmul.f32 v8, v5;
	v11 =	vmul.f32 v15, v11;
	v12 =	vadd.f32 $0.0e+00, v12  }
0x172: {  	s15 =	simm.s32 $0x0;
	v49 =	vld [tilespmem:s16+$0x12100];
	v7 =	vmul.f32 v6, v7;
	v48 =	vmul.f32 v16, v18;
	v9 =	vadd.f32 v13, v9  }
0x173: {  	v51 =	vld [tilespmem:s16+$0x10500];
	v52 =	vmov s15;
	v50 =	vmul.f32 v17, v18;
	v11 =	vadd.f32 v11, v12  }
0x174: {  	v20 =	vld [tilespmem:s16+$0x12500];
	v54 =	vmul.f32 v10, v8;
	v53 =	vmul.f32 v46, v7;
	v9 =	vadd.f32 v48, v9  }
0x175: {  	v55 =	vld [tilespmem:s16+$0x10900];
	v4 =	vmul.f32 v4, v5;
	v7 =	vmul.f32 v19, v7;
	v5 =	vadd.f32 v50, v11  }
0x176: {  	v57 =	vld [tilespmem:s16+$0x12900];
	v8 =	vmul.f32 v8, v6;
	v56 =	vmul.f32 v47, v54;
	v9 =	vadd.f32 v53, v9  }
0x177: {  	v58 =	vld [tilespmem:s16+$0x10D00];
	v59 =	vshll.u32 v52, $0x5;
	v5 =	vadd.f32 v7, v5;
	v7 =	vmul.f32 v49, v54  }
0x178: {  	v61 =	vld [tilespmem:s16+$0x12D00];
	v10 =	vmul.f32 v10, v4;
	v60 =	vmul.f32 v51, v8;
	v9 =	vadd.f32 v56, v9  }
0x179: {  	v62 =	vor.u32 v3, v59;
	v5 =	vadd.f32 v7, v5;
	v7 =	vmul.f32 v20, v8  }
0x17a: {  	v4 =	vmul.f32 v6, v4;
	v11 =	vmul.f32 v55, v10;
	v9 =	vadd.f32 v60, v9  }
0x17b: {  	v6 =	vmul.f32 v57, v10;
	v5 =	vadd.f32 v7, v5;
	v7 =	vor.u32 $0x1E, v62  }
0x17c: {  	v63 =	vmul.f32 v58, v4;
	v8 =	vor.u32 $0x1F, v62;
	v9 =	vadd.f32 v11, v9  }
0x17d: {  	v4 =	vmul.f32 v61, v4;
	v5 =	vadd.f32 v6, v5  }
0x17e: {  	v6 =	vadd.f32 v63, v9  }
0x17f: {  	v4 =	vadd.f32 v4, v5  }
0x180: {  	[tilespmem:v7+s12+$0x0] =	vst.idx.msk $0xffff, v6  }
0x181: {  	s16 =	simm.s32 $0x10;
	[tilespmem:v8+s12+$0x0] =	vst.idx.msk $0xffff, v4  }
0x182: {  	v4 =	vld [tilespmem:s16+$0x2800]  }
0x183: {  	s17 =	simm.s32 $0x80;
	v5 =	vld [tilespmem:s16+$0x2400]  }
.LBB2_17:
0x184: {  	p1 =	sne.s32 s17, $0xFC0  }
0x185: {  	v6 =	vld [tilespmem:s16+$0x2C00];
	_ =	sdelay $0x2  }
0x186: {  	v8 =	vsub.f32 $1.000000000e+00, v4;
	v7 =	vsub.f32 $1.000000000e+00, v5  }
0x187: {  	v9 =	vld [tilespmem:s16+$0xF100]  }
0x188: {  	v10 =	vsub.f32 $1.000000000e+00, v6;
	v11 =	vmul.f32 v8, v7;
	v12 =	vld [tilespmem:s16+$0x11100]  }
0x189: {  	v13 =	vld [tilespmem:s16+$0xF500]  }
0x18a: {  	v14 =	vmul.f32 v10, v11;
	v15 =	vld [tilespmem:s16+$0x11500]  }
0x18b: {  	v7 =	vmul.f32 v4, v7;
	v16 =	vld [tilespmem:s16+$0xF900]  }
0x18c: {  	v11 =	vmul.f32 v11, v6;
	v9 =	vmul.f32 v14, v9;
	v17 =	vld [tilespmem:s16+$0x11900]  }
0x18d: {  	v12 =	vmul.f32 v12, v14;
	v14 =	vld [tilespmem:s16+$0xFD00]  }
0x18e: {  	v18 =	vmul.f32 v10, v7;
	v9 =	vadd.f32 $0.0e+00, v9;
	v13 =	vmul.f32 v13, v11;
	v19 =	vld [tilespmem:s16+$0x11D00]  }
0x18f: {  	v8 =	vmul.f32 v8, v5;
	v12 =	vadd.f32 $0.0e+00, v12;
	v11 =	vmul.f32 v15, v11;
	v15 =	vld [tilespmem:s16+$0x10100]  }
0x190: {  	s15 =	sadd.s32 $0x10, s15;
	v7 =	vmul.f32 v6, v7;
	v9 =	vadd.f32 v13, v9;
	v13 =	vmul.f32 v16, v18;
	v16 =	vld [tilespmem:s16+$0x12100]  }
0x191: {  	v11 =	vadd.f32 v11, v12;
	v12 =	vmul.f32 v17, v18;
	v17 =	vld [tilespmem:s16+$0x10500];
	v18 =	vmov s15  }
0x192: {  	v9 =	vadd.f32 v13, v9;
	v13 =	vmul.f32 v14, v7;
	v14 =	vmul.f32 v10, v8;
	v20 =	vld [tilespmem:s16+$0x12500]  }
0x193: {  	v4 =	vmul.f32 v4, v5;
	v5 =	vadd.f32 v12, v11;
	v7 =	vmul.f32 v19, v7;
	v11 =	vld [tilespmem:s16+$0x10900]  }
0x194: {  	v8 =	vmul.f32 v8, v6;
	v9 =	vadd.f32 v13, v9;
	v12 =	vmul.f32 v15, v14;
	v13 =	vld [tilespmem:s16+$0x12900]  }
0x195: {  	v15 =	vshll.u32 v18, $0x5;
	v5 =	vadd.f32 v7, v5;
	v7 =	vmul.f32 v16, v14;
	v14 =	vld [tilespmem:s16+$0x10D00]  }
0x196: {  	v10 =	vmul.f32 v10, v4;
	v9 =	vadd.f32 v12, v9;
	v12 =	vmul.f32 v17, v8;
	v16 =	vld [tilespmem:s16+$0x12D00]  }
0x197: {  	v5 =	vadd.f32 v7, v5;
	v7 =	vmul.f32 v20, v8;
	v8 =	vor.u32 v3, v15  }
0x198: {  	v4 =	vmul.f32 v6, v4;
	v9 =	vadd.f32 v12, v9;
	v11 =	vmul.f32 v11, v10  }
0x199: {  	v5 =	vadd.f32 v7, v5;
	v6 =	vmul.f32 v13, v10;
	v7 =	vor.u32 $0x1E, v8  }
0x19a: {  	v8 =	vor.u32 $0x1F, v8;
	v9 =	vadd.f32 v11, v9;
	v10 =	vmul.f32 v14, v4  }
0x19b: {  	v5 =	vadd.f32 v6, v5;
	v4 =	vmul.f32 v16, v4  }
0x19c: {  	v6 =	vadd.f32 v10, v9  }
.Ltmp11:
0x19d: {  	v4 =	vadd.f32 v4, v5;
	(pc) =	sbr.rel @p1 .LBB2_17-.Ltmp11, $4  }
0x19e: {  	[tilespmem:v7+s12+$0x0] =	vst.idx.msk $0xffff, v6  }
0x19f: {  	s16 =	sshra.s32 s17, $0x2;
	[tilespmem:v8+s12+$0x0] =	vst.idx.msk $0xffff, v4  }
0x1a0: {  	v4 =	vld [tilespmem:s16+$0x2800]  }
0x1a1: {  	s17 =	sadd.s32 $0x40, s17;
	v5 =	vld [tilespmem:s16+$0x2400]  }
0x1a2: {  	_ = 	snop  }
0x1a3: {  	v6 =	vld [tilespmem:s16+$0x2C00];
	_ =	sdelay $0x2  }
0x1a4: {  	v8 =	vsub.f32 $1.000000000e+00, v4;
	v7 =	vsub.f32 $1.000000000e+00, v5  }
0x1a5: {  	v9 =	vld [tilespmem:s16+$0xF100]  }
0x1a6: {  	v12 =	vld [tilespmem:s16+$0x11100];
	v10 =	vsub.f32 $1.000000000e+00, v6;
	v11 =	vmul.f32 v8, v7  }
0x1a7: {  	v13 =	vld [tilespmem:s16+$0xF500]  }
0x1a8: {  	v15 =	vld [tilespmem:s16+$0x11500];
	v14 =	vmul.f32 v10, v11  }
0x1a9: {  	v16 =	vld [tilespmem:s16+$0xF900];
	v7 =	vmul.f32 v4, v7  }
0x1aa: {  	v17 =	vld [tilespmem:s16+$0x11900];
	v11 =	vmul.f32 v11, v6;
	v9 =	vmul.f32 v14, v9  }
0x1ab: {  	v41 =	vld [tilespmem:s16+$0xFD00];
	v12 =	vmul.f32 v12, v14  }
0x1ac: {  	v19 =	vld [tilespmem:s16+$0x11D00];
	v18 =	vmul.f32 v10, v7;
	v13 =	vmul.f32 v13, v11;
	v9 =	vadd.f32 $0.0e+00, v9  }
0x1ad: {  	v42 =	vld [tilespmem:s16+$0x10100];
	v8 =	vmul.f32 v8, v5;
	v11 =	vmul.f32 v15, v11;
	v12 =	vadd.f32 $0.0e+00, v12  }
0x1ae: {  	v44 =	vld [tilespmem:s16+$0x12100];
	s15 =	sadd.s32 $0x10, s15;
	v7 =	vmul.f32 v6, v7;
	v43 =	vmul.f32 v16, v18;
	v9 =	vadd.f32 v13, v9  }
0x1af: {  	v46 =	vld [tilespmem:s16+$0x10500];
	v47 =	vmov s15;
	v45 =	vmul.f32 v17, v18;
	v11 =	vadd.f32 v11, v12  }
0x1b0: {  	v20 =	vld [tilespmem:s16+$0x12500];
	v49 =	vmul.f32 v10, v8;
	v48 =	vmul.f32 v41, v7;
	v9 =	vadd.f32 v43, v9  }
0x1b1: {  	v50 =	vld [tilespmem:s16+$0x10900];
	v4 =	vmul.f32 v4, v5;
	v7 =	vmul.f32 v19, v7;
	v5 =	vadd.f32 v45, v11  }
0x1b2: {  	v52 =	vld [tilespmem:s16+$0x12900];
	v8 =	vmul.f32 v8, v6;
	v51 =	vmul.f32 v42, v49;
	v9 =	vadd.f32 v48, v9  }
0x1b3: {  	v54 =	vld [tilespmem:s16+$0x10D00];
	v55 =	vshll.u32 v47, $0x5;
	v53 =	vmul.f32 v44, v49;
	v5 =	vadd.f32 v7, v5  }
0x1b4: {  	v57 =	vld [tilespmem:s16+$0x12D00];
	v10 =	vmul.f32 v10, v4;
	v56 =	vmul.f32 v46, v8;
	v9 =	vadd.f32 v51, v9  }
0x1b5: {  	v59 =	vor.u32 v3, v55;
	v58 =	vmul.f32 v20, v8;
	v5 =	vadd.f32 v53, v5  }
0x1b6: {  	v4 =	vmul.f32 v6, v4;
	v11 =	vmul.f32 v50, v10;
	v9 =	vadd.f32 v56, v9  }
0x1b7: {  	v61 =	vor.u32 $0x1E, v59;
	v60 =	vmul.f32 v52, v10;
	v5 =	vadd.f32 v58, v5  }
0x1b8: {  	v62 =	vmul.f32 v54, v4;
	v8 =	vor.u32 $0x1F, v59;
	v9 =	vadd.f32 v11, v9  }
0x1b9: {  	v4 =	vmul.f32 v57, v4;
	v5 =	vadd.f32 v60, v5  }
0x1ba: {  	v63 =	vadd.f32 v62, v9  }
0x1bb: {  	v4 =	vadd.f32 v4, v5  }
0x1bc: {  	s14 =	sshll.u32 s14, $0xC;
	[tilespmem:v61+s12+$0x0] =	vst.idx.msk $0xffff, v63  }
.Ltmp12:
0x1bd: {  	s14 =	sadd.s32 s14, s6;
	[tilespmem:v8+s12+$0x0] =	vst.idx.msk $0xffff, v4;
	(pc) =	sbr.rel @p0 .LBB2_2-.Ltmp12, $4  }
0x1be: {  	[hbm4b:s14+s3] =	stream.linear.scatter [tilespmem:s12], [sflag:$0x2], $0x8000, $0x38;
	[tilespmem:$0x1B100] =	vst v63  }
0x1bf: {  	_ =	swait.ge [sflag:s8], $0x8000  }
0x1c0: {  	[sflag:s8] =	ssyncset.done $0x0  }
0x1c1: {  	p1 =	por $0x0, $0x0;
	s14 =	simm.s32 $0x1;
	[sflag:s8] =	ssyncadd.s32 $0xFFFF8000  }
0x1c2: {  	s13 =	sadd.s32 $0x1, s13  }
0x1c3: {  	p0 =	sne.s32 s13, s7  }
.Ltmp13:
0x1c4: {  	_ = 	snop;
	(pc) =	sbr.rel @p0 .LBB2_1-.Ltmp13, $1  }
0x1c5: {  	_ =	sdelay $0x3  }
0x1c6: {  	_ =	sfence.sel $0x180000  }
0x1c7: {  	[bflag:$0x0] =	sbarrier.arrive $0xFFFF  }
0x1c8: {  	p0 =	sne.s32 s0, $0x0;
	_ =	strace $0x90000047  }
0x1c9: {  	s0 =	sadd.s32 @!p0 $0x100000, s1;
	[bflag:$0x2] =	sbarrier.arrive $0xFFFF  }
0x1ca: {  	[sflag:s0] =	ssyncadd.tile.s32 @!p0 $0x1;
	_ =	shalt  }
.Lfunc_end2:
_tile_overlayer_lowered:
.L_overlay_start_2:
0x1cb: {  	(tag) =	ssettag $0x2  }
0x1cc: {  	s0 =	rddreg [dreg:$0x0];
	s2 =	stileid.u32  }
0x1cd: {  	s1 =	rddreg [dreg:$0x1];
	p0 =	sne.s32 s2, $0x0  }
0x1ce: {  	s3 =	rddreg [dreg:$0x2];
	[bflag:$0x3] =	sbarrier.arrive $0xFFFF;
	s2 =	simm.s32 @!p0 $0x1C02  }
0x1cf: {  	[timem:s3], [sflag:s2] =	dma.local @!p0 [hbm:s0], s1  }
0x1d0: {  	s0 =	simm.s32 @!p0 $0x2  }
0x1d1: {  	_ =	swait.ge @!p0 [sflag:s0], s1  }
0x1d2: {  	s1 =	ssub.s32 @!p0 $0x0, s1;
	[sflag:s0] =	ssyncset.done @!p0 $0x0  }
0x1d3: {  	[sflag:s0] =	ssyncadd.s32 @!p0 s1  }
0x1d4: {  	[bflag:$0x3] =	sbarrier.arrive $0xFFFF  }
0x1d5: {  	_ =	shalt  }

</sc_bundles>
